<compile_context>
chip_gen: v7x
topology: tpu7x:2x2x1
jax: 0.10.2.dev20260603
libtpu: 0.0.44.dev20260713+nightly
codegen_flags: <defaults>
</compile_context>

<pallas_src>
import dataclasses

import jax
import jax.numpy as jnp
from jax import lax
from jax.experimental import pallas as pl
from jax.experimental.pallas import tpu as pltpu
from jax.experimental.pallas import tpu_sc as plsc

_USER_NUM = 1000000
_TABLE_ROWS = 2 * _USER_NUM
_B = 16384
_F = 16
_NC = 2
_NS = 16
_NW = _NC * _NS
_BPW = _B // _NW
_LANES = 16
_NSL = _BPW // _LANES
_FBASE = [(f // 8) * (_TABLE_ROWS * 8) + (f % 8) * 128 for f in range(_F)]


def _emb_sc_body(user_ref, item_ref, emb_ref, bias_ref, out_ref,
                 uidx, iidx, uidxb, iidxb, ubufT, ibufT, outv, biasv, sem):
    wid = lax.axis_index("s") * _NC + lax.axis_index("c")
    base = wid * _BPW

    pltpu.sync_copy(user_ref.at[pl.ds(base, _BPW)], uidx)
    pltpu.sync_copy(item_ref.at[pl.ds(base, _BPW)], iidx)
    pltpu.sync_copy(bias_ref, biasv)

    @pl.loop(0, _NSL)
    def _(s):
        sl = pl.ds(s * _LANES, _LANES)
        uv = uidx[sl]
        iv = iidx[sl] + _USER_NUM
        ub = ((uv >> 7) << 10) + (uv & 127)
        ib = ((iv >> 7) << 10) + (iv & 127)
        for f in range(_F):
            bsl = pl.ds(f * _BPW + s * _LANES, _LANES)
            uidxb[bsl] = ub + _FBASE[f]
            iidxb[bsl] = ib + _FBASE[f]

    cps = (pltpu.async_copy(emb_ref.at[uidxb], ubufT, sem),
           pltpu.async_copy(emb_ref.at[iidxb], ibufT, sem))
    for cp in cps:
        cp.wait()

    b = biasv[...]

    @pl.loop(0, _NSL)
    def _(s):
        sl = pl.ds(s * _LANES, _LANES)
        acc = b
        for f in range(_F):
            fsl = pl.ds(f * _BPW + s * _LANES, _LANES)
            acc = acc + ubufT[fsl] * ibufT[fsl]
        outv[sl] = acc

    pltpu.sync_copy(outv, out_ref.at[pl.ds(base, _BPW)])


def _lin_sc_body(user_ref, item_ref, lin_ref, part_ref, out_ref,
                 uidx, iidx, ulin, ilin, outv, sem):
    wid = lax.axis_index("s") * _NC + lax.axis_index("c")
    base = wid * _BPW

    pltpu.sync_copy(user_ref.at[pl.ds(base, _BPW)], uidx)
    pltpu.sync_copy(item_ref.at[pl.ds(base, _BPW)], iidx)
    pltpu.sync_copy(part_ref.at[pl.ds(base, _BPW)], outv)

    @pl.loop(0, _NSL)
    def _(s):
        sl = pl.ds(s * _LANES, _LANES)
        iidx[sl] = iidx[sl] + _USER_NUM

    cps = (pltpu.async_copy(lin_ref.at[uidx], ulin, sem),
           pltpu.async_copy(lin_ref.at[iidx], ilin, sem))
    for cp in cps:
        cp.wait()

    @pl.loop(0, _NSL)
    def _(s):
        sl = pl.ds(s * _LANES, _LANES)
        outv[sl] = outv[sl] + ulin[sl] + ilin[sl]

    pltpu.sync_copy(outv, out_ref.at[pl.ds(base, _BPW)])


def _compiler_params():
    cp = pltpu.CompilerParams()
    for fld, val in (("needs_layout_passes", False),
                     ("use_tc_tiling_on_sc", False)):
        if fld in pltpu.CompilerParams.__dataclass_fields__:
            cp = dataclasses.replace(cp, **{fld: val})
    return cp


def kernel(user, item, emb_table, lin_table, bias):
    emb_flat = (emb_table
                .reshape(_TABLE_ROWS // 128, 128, 2, 8)
                .transpose(2, 0, 3, 1)
                .reshape(_TABLE_ROWS * _F))
    lin_flat = lin_table.reshape(_TABLE_ROWS)
    bias16 = jnp.broadcast_to(bias, (_LANES,))
    mesh = plsc.VectorSubcoreMesh(core_axis_name="c", subcore_axis_name="s")
    cp = _compiler_params()
    fa = pl.kernel(
        _emb_sc_body,
        out_type=jax.ShapeDtypeStruct((_B,), jnp.float32),
        mesh=mesh,
        scratch_types=[
            pltpu.VMEM((_BPW,), jnp.int32),
            pltpu.VMEM((_BPW,), jnp.int32),
            pltpu.VMEM((_F * _BPW,), jnp.int32),
            pltpu.VMEM((_F * _BPW,), jnp.int32),
            pltpu.VMEM((_F * _BPW,), jnp.float32),
            pltpu.VMEM((_F * _BPW,), jnp.float32),
            pltpu.VMEM((_BPW,), jnp.float32),
            pltpu.VMEM((_LANES,), jnp.float32),
            pltpu.SemaphoreType.DMA,
        ],
        compiler_params=cp,
    )
    fb = pl.kernel(
        _lin_sc_body,
        out_type=jax.ShapeDtypeStruct((_B,), jnp.float32),
        mesh=mesh,
        scratch_types=[
            pltpu.VMEM((_BPW,), jnp.int32),
            pltpu.VMEM((_BPW,), jnp.int32),
            pltpu.VMEM((_BPW,), jnp.float32),
            pltpu.VMEM((_BPW,), jnp.float32),
            pltpu.VMEM((_BPW,), jnp.float32),
            pltpu.SemaphoreType.DMA,
        ],
        compiler_params=cp,
    )
    partial = fa(user, item, emb_flat, bias16)
    return fb(user, item, lin_flat, partial)

# --- scband reference (transcript-rebuilt; emitter-appended) ---
"""Pipeline reference for scband-fm-78743930404930 (READ-ONLY COPY).

The authoritative reference and input builder live on the scoring server;
editing this copy changes nothing except your own understanding.
"""

import jax, jax.numpy as jnp
import numpy as np

USER_NUM = 1000000
ITEM_NUM = 1000000
FACTOR = 16
B = 16384


def setup_inputs(seed: int = 0) -> dict:
    key = jax.random.key(seed)
    k1, k2, k3, k4 = jax.random.split(key, 4)
    user = jax.random.randint(k1, (B,), 0, USER_NUM, dtype=jnp.int32)
    item = jax.random.randint(k2, (B,), 0, ITEM_NUM, dtype=jnp.int32)
    # learned parameters (pytorch-fm style FeaturesEmbedding / FeaturesLinear)
    emb_table = jax.random.normal(k3, (USER_NUM + ITEM_NUM, FACTOR), dtype=jnp.float32) * 0.01
    lin_table = jax.random.normal(k4, (USER_NUM + ITEM_NUM, 1), dtype=jnp.float32) * 0.01
    bias = jnp.zeros((1,), dtype=jnp.float32)
    return {"user": user, "item": item, "emb_table": emb_table, "lin_table": lin_table, "bias": bias}


def reference(user, item, emb_table, lin_table, bias):
    # x = cat([user.unsqueeze(1), item.unsqueeze(1)], dim=1)
    x = jnp.stack([user, item], axis=1)  # [B, 2]
    # FeaturesEmbedding / FeaturesLinear apply cumulative field offsets
    offsets = jnp.array([0, USER_NUM], dtype=x.dtype)
    x = x + offsets[None, :]
    # FeaturesLinear: sum of per-feature scalar weights + bias
    linear = jnp.sum(jnp.take(lin_table, x, axis=0), axis=1) + bias  # [B, 1]
    # FeaturesEmbedding gather
    e = jnp.take(emb_table, x, axis=0)  # [B, 2, F]
    # FactorizationMachine(reduce_sum=True)
    s = jnp.sum(e, axis=1)  # [B, F]
    square_of_sum = s * s
    sum_of_square = jnp.sum(e * e, axis=1)
    ix = 0.5 * jnp.sum(square_of_sum - sum_of_square, axis=1, keepdims=True)  # [B, 1]
    out = linear + ix  # [B, 1]
    return jnp.squeeze(out, axis=1)  # logits=True path

if __name__ == "__main__":
    import jax
    _d = setup_inputs()
    print(jax.jit(kernel)(*tuple(_d.values())))

</pallas_src>

<mosaic_0001>
#map = affine_map<(d0, d1) -> (0)>
module attributes {stable_mosaic.version = 14 : i64} {
  func.func @_emb_sc_body(%arg0: i32, %arg1: i32, %arg2: memref<16384xi32, #tpu.memory_space<hbm>>, %arg3: memref<16384xi32, #tpu.memory_space<hbm>>, %arg4: memref<32000000xf32, #tpu.memory_space<hbm>>, %arg5: memref<16xf32, #tpu.memory_space<hbm>>, %arg6: memref<16384xf32, #tpu.memory_space<hbm>>, %arg7: memref<512xi32, #tpu.memory_space<vmem>>, %arg8: memref<512xi32, #tpu.memory_space<vmem>>, %arg9: memref<8192xi32, #tpu.memory_space<vmem>>, %arg10: memref<8192xi32, #tpu.memory_space<vmem>>, %arg11: memref<8192xf32, #tpu.memory_space<vmem>>, %arg12: memref<8192xf32, #tpu.memory_space<vmem>>, %arg13: memref<512xf32, #tpu.memory_space<vmem>>, %arg14: memref<16xf32, #tpu.memory_space<vmem>>, %arg15: memref<!tpu.dma_semaphore, #tpu.memory_space<semaphore_mem>>) attributes {dimension_semantics = [#tpu.dimension_semantics<core_parallel>, #tpu.dimension_semantics<subcore_parallel>], iteration_bounds = array<i64: 2, 16>, scalar_prefetch = 0 : i64, scratch_operands = 9 : i64, tpu.core_type = #tpu.core_type<sc_vector_subcore>, window_params = [{transform_indices = #map}, {transform_indices = #map}, {transform_indices = #map}, {transform_indices = #map}, {transform_indices = #map}]} {
    %mul3A = arith.constant 2 : i32
    %mul3A_0 = arith.muli %arg1, %mul3A : i32
    %add3A = arith.addi %mul3A_0, %arg0 : i32
    %mul3A_1 = arith.constant 512 : i32
    %mul3A_2 = arith.muli %add3A, %mul3A_1 : i32
    "tpu.region"() ({
      %run_scoped3A = tpu.sem_alloc : memref<!tpu.dma_semaphore, #tpu.memory_space<semaphore_mem>>
      %dma_start3A_19 = tpu.memref_slice %arg2[%mul3A_2] : memref<16384xi32, #tpu.memory_space<hbm>> -> memref<512xi32, #tpu.memory_space<hbm>>
      %dma_start3A_20 = tpu.memref_slice %arg2[%mul3A_2] : memref<16384xi32, #tpu.memory_space<hbm>> -> memref<512xi32, #tpu.memory_space<hbm>>
      tpu.enqueue_dma source(%dma_start3A_20 : memref<512xi32, #tpu.memory_space<hbm>>) target(%arg7 : memref<512xi32, #tpu.memory_space<vmem>>) target_semaphore(%run_scoped3A : memref<!tpu.dma_semaphore, #tpu.memory_space<semaphore_mem>>)
      %dma_wait3A_21 = tpu.memref_slice %arg2[%mul3A_2] : memref<16384xi32, #tpu.memory_space<hbm>> -> memref<512xi32, #tpu.memory_space<hbm>>
      %dma_wait3A_22 = tpu.memref_slice %arg2[%mul3A_2] : memref<16384xi32, #tpu.memory_space<hbm>> -> memref<512xi32, #tpu.memory_space<hbm>>
      tpu.wait_dma2 semaphore(%run_scoped3A : memref<!tpu.dma_semaphore, #tpu.memory_space<semaphore_mem>>) src(%dma_wait3A_22 : memref<512xi32, #tpu.memory_space<hbm>>) dst(%arg7 : memref<512xi32, #tpu.memory_space<vmem>>)
      tpu.yield
    }) : () -> ()
    "tpu.region"() ({
      %run_scoped3A = tpu.sem_alloc : memref<!tpu.dma_semaphore, #tpu.memory_space<semaphore_mem>>
      %dma_start3A_19 = tpu.memref_slice %arg3[%mul3A_2] : memref<16384xi32, #tpu.memory_space<hbm>> -> memref<512xi32, #tpu.memory_space<hbm>>
      %dma_start3A_20 = tpu.memref_slice %arg3[%mul3A_2] : memref<16384xi32, #tpu.memory_space<hbm>> -> memref<512xi32, #tpu.memory_space<hbm>>
      tpu.enqueue_dma source(%dma_start3A_20 : memref<512xi32, #tpu.memory_space<hbm>>) target(%arg8 : memref<512xi32, #tpu.memory_space<vmem>>) target_semaphore(%run_scoped3A : memref<!tpu.dma_semaphore, #tpu.memory_space<semaphore_mem>>)
      %dma_wait3A_21 = tpu.memref_slice %arg3[%mul3A_2] : memref<16384xi32, #tpu.memory_space<hbm>> -> memref<512xi32, #tpu.memory_space<hbm>>
      %dma_wait3A_22 = tpu.memref_slice %arg3[%mul3A_2] : memref<16384xi32, #tpu.memory_space<hbm>> -> memref<512xi32, #tpu.memory_space<hbm>>
      tpu.wait_dma2 semaphore(%run_scoped3A : memref<!tpu.dma_semaphore, #tpu.memory_space<semaphore_mem>>) src(%dma_wait3A_22 : memref<512xi32, #tpu.memory_space<hbm>>) dst(%arg8 : memref<512xi32, #tpu.memory_space<vmem>>)
      tpu.yield
    }) : () -> ()
    "tpu.region"() ({
      %run_scoped3A = tpu.sem_alloc : memref<!tpu.dma_semaphore, #tpu.memory_space<semaphore_mem>>
      tpu.enqueue_dma source(%arg5 : memref<16xf32, #tpu.memory_space<hbm>>) target(%arg14 : memref<16xf32, #tpu.memory_space<vmem>>) target_semaphore(%run_scoped3A : memref<!tpu.dma_semaphore, #tpu.memory_space<semaphore_mem>>)
      tpu.wait_dma2 semaphore(%run_scoped3A : memref<!tpu.dma_semaphore, #tpu.memory_space<semaphore_mem>>) src(%arg5 : memref<16xf32, #tpu.memory_space<hbm>>) dst(%arg14 : memref<16xf32, #tpu.memory_space<vmem>>)
      tpu.yield
    }) : () -> ()
    %scan3A = arith.constant 0 : i32
    %scan3A_3 = arith.constant 32 : i32
    %scan3A_4 = arith.addi %scan3A, %scan3A_3 : i32
    %scan3A_5 = arith.constant 1 : i32
    scf.for %scan3A_19 = %scan3A to %scan3A_4 step %scan3A_5  : i32 {
      %mul3A_20 = arith.constant 1 : i32
      %mul3A_21 = arith.muli %scan3A_19, %mul3A_20 : i32
      %add3A_22 = arith.constant 0 : i32
      %add3A_23 = arith.addi %add3A_22, %mul3A_21 : i32
      %mul3A_24 = arith.constant 16 : i32
      %mul3A_25 = arith.muli %add3A_23, %mul3A_24 : i32
      %get3A_26 = arith.index_cast %mul3A_25 : i32 to index
      %get3A_27 = tpu.vector_load %arg7[%get3A_26] {strides = array<i32>} : memref<512xi32, #tpu.memory_space<vmem>>, vector<16xi32>,
      %get3A_28 = arith.index_cast %mul3A_25 : i32 to index
      %get3A_29 = tpu.vector_load %arg8[%get3A_28] {strides = array<i32>} : memref<512xi32, #tpu.memory_space<vmem>>, vector<16xi32>,
      %add3A_30 = arith.constant 1000000 : i32
      %add3A_31 = vector.broadcast %add3A_30 : i32 to vector<16xi32>
      %add3A_32 = arith.addi %get3A_29, %add3A_31 : vector<16xi32>
      %shift_right_arithmetic3A = arith.constant 7 : i32
      %shift_right_arithmetic3A_33 = vector.broadcast %shift_right_arithmetic3A : i32 to vector<16xi32>
      %shift_right_arithmetic3A_34 = arith.shrsi %get3A_27, %shift_right_arithmetic3A_33 : vector<16xi32>
      %shift_left3A = arith.constant 10 : i32
      %shift_left3A_35 = vector.broadcast %shift_left3A : i32 to vector<16xi32>
      %shift_left3A_36 = arith.shli %shift_right_arithmetic3A_34, %shift_left3A_35 : vector<16xi32>
      %and3A = arith.constant 127 : i32
      %and3A_37 = vector.broadcast %and3A : i32 to vector<16xi32>
      %and3A_38 = arith.andi %get3A_27, %and3A_37 : vector<16xi32>
      %add3A_39 = arith.addi %shift_left3A_36, %and3A_38 : vector<16xi32>
      %shift_right_arithmetic3A_40 = arith.constant 7 : i32
      %shift_right_arithmetic3A_41 = vector.broadcast %shift_right_arithmetic3A_40 : i32 to vector<16xi32>
      %shift_right_arithmetic3A_42 = arith.shrsi %add3A_32, %shift_right_arithmetic3A_41 : vector<16xi32>
      %shift_left3A_43 = arith.constant 10 : i32
      %shift_left3A_44 = vector.broadcast %shift_left3A_43 : i32 to vector<16xi32>
      %shift_left3A_45 = arith.shli %shift_right_arithmetic3A_42, %shift_left3A_44 : vector<16xi32>
      %and3A_46 = arith.constant 127 : i32
      %and3A_47 = vector.broadcast %and3A_46 : i32 to vector<16xi32>
      %and3A_48 = arith.andi %add3A_32, %and3A_47 : vector<16xi32>
      %add3A_49 = arith.addi %shift_left3A_45, %and3A_48 : vector<16xi32>
      %mul3A_50 = arith.constant 16 : i32
      %mul3A_51 = arith.muli %add3A_23, %mul3A_50 : i32
      %add3A_52 = arith.constant 0 : i32
      %add3A_53 = arith.addi %add3A_52, %mul3A_51 : i32
      %add3A_54 = arith.constant 0 : i32
      %add3A_55 = vector.broadcast %add3A_54 : i32 to vector<16xi32>
      %add3A_56 = arith.addi %add3A_39, %add3A_55 : vector<16xi32>
      %swap3A = arith.index_cast %add3A_53 : i32 to index
      %swap3A_57 = tpu.vector_load %arg9[%swap3A] {strides = array<i32>} : memref<8192xi32, #tpu.memory_space<vmem>>, vector<16xi32>,
      tpu.vector_store %arg9[%swap3A], %add3A_56 {strides = array<i32>} : memref<8192xi32, #tpu.memory_space<vmem>>, vector<16xi32>,
      %add3A_58 = arith.constant 0 : i32
      %add3A_59 = vector.broadcast %add3A_58 : i32 to vector<16xi32>
      %add3A_60 = arith.addi %add3A_49, %add3A_59 : vector<16xi32>
      %swap3A_61 = arith.index_cast %add3A_53 : i32 to index
      %swap3A_62 = tpu.vector_load %arg10[%swap3A_61] {strides = array<i32>} : memref<8192xi32, #tpu.memory_space<vmem>>, vector<16xi32>,
      tpu.vector_store %arg10[%swap3A_61], %add3A_60 {strides = array<i32>} : memref<8192xi32, #tpu.memory_space<vmem>>, vector<16xi32>,
      %mul3A_63 = arith.constant 16 : i32
      %mul3A_64 = arith.muli %add3A_23, %mul3A_63 : i32
      %add3A_65 = arith.constant 512 : i32
      %add3A_66 = arith.addi %add3A_65, %mul3A_64 : i32
      %add3A_67 = arith.constant 128 : i32
      %add3A_68 = vector.broadcast %add3A_67 : i32 to vector<16xi32>
      %add3A_69 = arith.addi %add3A_39, %add3A_68 : vector<16xi32>
      %swap3A_70 = arith.index_cast %add3A_66 : i32 to index
      %swap3A_71 = tpu.vector_load %arg9[%swap3A_70] {strides = array<i32>} : memref<8192xi32, #tpu.memory_space<vmem>>, vector<16xi32>,
      tpu.vector_store %arg9[%swap3A_70], %add3A_69 {strides = array<i32>} : memref<8192xi32, #tpu.memory_space<vmem>>, vector<16xi32>,
      %add3A_72 = arith.constant 128 : i32
      %add3A_73 = vector.broadcast %add3A_72 : i32 to vector<16xi32>
      %add3A_74 = arith.addi %add3A_49, %add3A_73 : vector<16xi32>
      %swap3A_75 = arith.index_cast %add3A_66 : i32 to index
      %swap3A_76 = tpu.vector_load %arg10[%swap3A_75] {strides = array<i32>} : memref<8192xi32, #tpu.memory_space<vmem>>, vector<16xi32>,
      tpu.vector_store %arg10[%swap3A_75], %add3A_74 {strides = array<i32>} : memref<8192xi32, #tpu.memory_space<vmem>>, vector<16xi32>,
      %mul3A_77 = arith.constant 16 : i32
      %mul3A_78 = arith.muli %add3A_23, %mul3A_77 : i32
      %add3A_79 = arith.constant 1024 : i32
      %add3A_80 = arith.addi %add3A_79, %mul3A_78 : i32
      %add3A_81 = arith.constant 256 : i32
      %add3A_82 = vector.broadcast %add3A_81 : i32 to vector<16xi32>
      %add3A_83 = arith.addi %add3A_39, %add3A_82 : vector<16xi32>
      %swap3A_84 = arith.index_cast %add3A_80 : i32 to index
      %swap3A_85 = tpu.vector_load %arg9[%swap3A_84] {strides = array<i32>} : memref<8192xi32, #tpu.memory_space<vmem>>, vector<16xi32>,
      tpu.vector_store %arg9[%swap3A_84], %add3A_83 {strides = array<i32>} : memref<8192xi32, #tpu.memory_space<vmem>>, vector<16xi32>,
      %add3A_86 = arith.constant 256 : i32
      %add3A_87 = vector.broadcast %add3A_86 : i32 to vector<16xi32>
      %add3A_88 = arith.addi %add3A_49, %add3A_87 : vector<16xi32>
      %swap3A_89 = arith.index_cast %add3A_80 : i32 to index
      %swap3A_90 = tpu.vector_load %arg10[%swap3A_89] {strides = array<i32>} : memref<8192xi32, #tpu.memory_space<vmem>>, vector<16xi32>,
      tpu.vector_store %arg10[%swap3A_89], %add3A_88 {strides = array<i32>} : memref<8192xi32, #tpu.memory_space<vmem>>, vector<16xi32>,
      %mul3A_91 = arith.constant 16 : i32
      %mul3A_92 = arith.muli %add3A_23, %mul3A_91 : i32
      %add3A_93 = arith.constant 1536 : i32
      %add3A_94 = arith.addi %add3A_93, %mul3A_92 : i32
      %add3A_95 = arith.constant 384 : i32
      %add3A_96 = vector.broadcast %add3A_95 : i32 to vector<16xi32>
      %add3A_97 = arith.addi %add3A_39, %add3A_96 : vector<16xi32>
      %swap3A_98 = arith.index_cast %add3A_94 : i32 to index
      %swap3A_99 = tpu.vector_load %arg9[%swap3A_98] {strides = array<i32>} : memref<8192xi32, #tpu.memory_space<vmem>>, vector<16xi32>,
      tpu.vector_store %arg9[%swap3A_98], %add3A_97 {strides = array<i32>} : memref<8192xi32, #tpu.memory_space<vmem>>, vector<16xi32>,
      %add3A_100 = arith.constant 384 : i32
      %add3A_101 = vector.broadcast %add3A_100 : i32 to vector<16xi32>
      %add3A_102 = arith.addi %add3A_49, %add3A_101 : vector<16xi32>
      %swap3A_103 = arith.index_cast %add3A_94 : i32 to index
      %swap3A_104 = tpu.vector_load %arg10[%swap3A_103] {strides = array<i32>} : memref<8192xi32, #tpu.memory_space<vmem>>, vector<16xi32>,
      tpu.vector_store %arg10[%swap3A_103], %add3A_102 {strides = array<i32>} : memref<8192xi32, #tpu.memory_space<vmem>>, vector<16xi32>,
      %mul3A_105 = arith.constant 16 : i32
      %mul3A_106 = arith.muli %add3A_23, %mul3A_105 : i32
      %add3A_107 = arith.constant 2048 : i32
      %add3A_108 = arith.addi %add3A_107, %mul3A_106 : i32
      %add3A_109 = arith.constant 512 : i32
      %add3A_110 = vector.broadcast %add3A_109 : i32 to vector<16xi32>
      %add3A_111 = arith.addi %add3A_39, %add3A_110 : vector<16xi32>
      %swap3A_112 = arith.index_cast %add3A_108 : i32 to index
      %swap3A_113 = tpu.vector_load %arg9[%swap3A_112] {strides = array<i32>} : memref<8192xi32, #tpu.memory_space<vmem>>, vector<16xi32>,
      tpu.vector_store %arg9[%swap3A_112], %add3A_111 {strides = array<i32>} : memref<8192xi32, #tpu.memory_space<vmem>>, vector<16xi32>,
      %add3A_114 = arith.constant 512 : i32
      %add3A_115 = vector.broadcast %add3A_114 : i32 to vector<16xi32>
      %add3A_116 = arith.addi %add3A_49, %add3A_115 : vector<16xi32>
      %swap3A_117 = arith.index_cast %add3A_108 : i32 to index
      %swap3A_118 = tpu.vector_load %arg10[%swap3A_117] {strides = array<i32>} : memref<8192xi32, #tpu.memory_space<vmem>>, vector<16xi32>,
      tpu.vector_store %arg10[%swap3A_117], %add3A_116 {strides = array<i32>} : memref<8192xi32, #tpu.memory_space<vmem>>, vector<16xi32>,
      %mul3A_119 = arith.constant 16 : i32
      %mul3A_120 = arith.muli %add3A_23, %mul3A_119 : i32
      %add3A_121 = arith.constant 2560 : i32
      %add3A_122 = arith.addi %add3A_121, %mul3A_120 : i32
      %add3A_123 = arith.constant 640 : i32
      %add3A_124 = vector.broadcast %add3A_123 : i32 to vector<16xi32>
      %add3A_125 = arith.addi %add3A_39, %add3A_124 : vector<16xi32>
      %swap3A_126 = arith.index_cast %add3A_122 : i32 to index
      %swap3A_127 = tpu.vector_load %arg9[%swap3A_126] {strides = array<i32>} : memref<8192xi32, #tpu.memory_space<vmem>>, vector<16xi32>,
      tpu.vector_store %arg9[%swap3A_126], %add3A_125 {strides = array<i32>} : memref<8192xi32, #tpu.memory_space<vmem>>, vector<16xi32>,
      %add3A_128 = arith.constant 640 : i32
      %add3A_129 = vector.broadcast %add3A_128 : i32 to vector<16xi32>
      %add3A_130 = arith.addi %add3A_49, %add3A_129 : vector<16xi32>
      %swap3A_131 = arith.index_cast %add3A_122 : i32 to index
      %swap3A_132 = tpu.vector_load %arg10[%swap3A_131] {strides = array<i32>} : memref<8192xi32, #tpu.memory_space<vmem>>, vector<16xi32>,
      tpu.vector_store %arg10[%swap3A_131], %add3A_130 {strides = array<i32>} : memref<8192xi32, #tpu.memory_space<vmem>>, vector<16xi32>,
      %mul3A_133 = arith.constant 16 : i32
      %mul3A_134 = arith.muli %add3A_23, %mul3A_133 : i32
      %add3A_135 = arith.constant 3072 : i32
      %add3A_136 = arith.addi %add3A_135, %mul3A_134 : i32
      %add3A_137 = arith.constant 768 : i32
      %add3A_138 = vector.broadcast %add3A_137 : i32 to vector<16xi32>
      %add3A_139 = arith.addi %add3A_39, %add3A_138 : vector<16xi32>
      %swap3A_140 = arith.index_cast %add3A_136 : i32 to index
      %swap3A_141 = tpu.vector_load %arg9[%swap3A_140] {strides = array<i32>} : memref<8192xi32, #tpu.memory_space<vmem>>, vector<16xi32>,
      tpu.vector_store %arg9[%swap3A_140], %add3A_139 {strides = array<i32>} : memref<8192xi32, #tpu.memory_space<vmem>>, vector<16xi32>,
      %add3A_142 = arith.constant 768 : i32
      %add3A_143 = vector.broadcast %add3A_142 : i32 to vector<16xi32>
      %add3A_144 = arith.addi %add3A_49, %add3A_143 : vector<16xi32>
      %swap3A_145 = arith.index_cast %add3A_136 : i32 to index
      %swap3A_146 = tpu.vector_load %arg10[%swap3A_145] {strides = array<i32>} : memref<8192xi32, #tpu.memory_space<vmem>>, vector<16xi32>,
      tpu.vector_store %arg10[%swap3A_145], %add3A_144 {strides = array<i32>} : memref<8192xi32, #tpu.memory_space<vmem>>, vector<16xi32>,
      %mul3A_147 = arith.constant 16 : i32
      %mul3A_148 = arith.muli %add3A_23, %mul3A_147 : i32
      %add3A_149 = arith.constant 3584 : i32
      %add3A_150 = arith.addi %add3A_149, %mul3A_148 : i32
      %add3A_151 = arith.constant 896 : i32
      %add3A_152 = vector.broadcast %add3A_151 : i32 to vector<16xi32>
      %add3A_153 = arith.addi %add3A_39, %add3A_152 : vector<16xi32>
      %swap3A_154 = arith.index_cast %add3A_150 : i32 to index
      %swap3A_155 = tpu.vector_load %arg9[%swap3A_154] {strides = array<i32>} : memref<8192xi32, #tpu.memory_space<vmem>>, vector<16xi32>,
      tpu.vector_store %arg9[%swap3A_154], %add3A_153 {strides = array<i32>} : memref<8192xi32, #tpu.memory_space<vmem>>, vector<16xi32>,
      %add3A_156 = arith.constant 896 : i32
      %add3A_157 = vector.broadcast %add3A_156 : i32 to vector<16xi32>
      %add3A_158 = arith.addi %add3A_49, %add3A_157 : vector<16xi32>
      %swap3A_159 = arith.index_cast %add3A_150 : i32 to index
      %swap3A_160 = tpu.vector_load %arg10[%swap3A_159] {strides = array<i32>} : memref<8192xi32, #tpu.memory_space<vmem>>, vector<16xi32>,
      tpu.vector_store %arg10[%swap3A_159], %add3A_158 {strides = array<i32>} : memref<8192xi32, #tpu.memory_space<vmem>>, vector<16xi32>,
      %mul3A_161 = arith.constant 16 : i32
      %mul3A_162 = arith.muli %add3A_23, %mul3A_161 : i32
      %add3A_163 = arith.constant 4096 : i32
      %add3A_164 = arith.addi %add3A_163, %mul3A_162 : i32
      %add3A_165 = arith.constant 16000000 : i32
      %add3A_166 = vector.broadcast %add3A_165 : i32 to vector<16xi32>
      %add3A_167 = arith.addi %add3A_39, %add3A_166 : vector<16xi32>
      %swap3A_168 = arith.index_cast %add3A_164 : i32 to index
      %swap3A_169 = tpu.vector_load %arg9[%swap3A_168] {strides = array<i32>} : memref<8192xi32, #tpu.memory_space<vmem>>, vector<16xi32>,
      tpu.vector_store %arg9[%swap3A_168], %add3A_167 {strides = array<i32>} : memref<8192xi32, #tpu.memory_space<vmem>>, vector<16xi32>,
      %add3A_170 = arith.constant 16000000 : i32
      %add3A_171 = vector.broadcast %add3A_170 : i32 to vector<16xi32>
      %add3A_172 = arith.addi %add3A_49, %add3A_171 : vector<16xi32>
      %swap3A_173 = arith.index_cast %add3A_164 : i32 to index
      %swap3A_174 = tpu.vector_load %arg10[%swap3A_173] {strides = array<i32>} : memref<8192xi32, #tpu.memory_space<vmem>>, vector<16xi32>,
      tpu.vector_store %arg10[%swap3A_173], %add3A_172 {strides = array<i32>} : memref<8192xi32, #tpu.memory_space<vmem>>, vector<16xi32>,
      %mul3A_175 = arith.constant 16 : i32
      %mul3A_176 = arith.muli %add3A_23, %mul3A_175 : i32
      %add3A_177 = arith.constant 4608 : i32
      %add3A_178 = arith.addi %add3A_177, %mul3A_176 : i32
      %add3A_179 = arith.constant 16000128 : i32
      %add3A_180 = vector.broadcast %add3A_179 : i32 to vector<16xi32>
      %add3A_181 = arith.addi %add3A_39, %add3A_180 : vector<16xi32>
      %swap3A_182 = arith.index_cast %add3A_178 : i32 to index
      %swap3A_183 = tpu.vector_load %arg9[%swap3A_182] {strides = array<i32>} : memref<8192xi32, #tpu.memory_space<vmem>>, vector<16xi32>,
      tpu.vector_store %arg9[%swap3A_182], %add3A_181 {strides = array<i32>} : memref<8192xi32, #tpu.memory_space<vmem>>, vector<16xi32>,
      %add3A_184 = arith.constant 16000128 : i32
      %add3A_185 = vector.broadcast %add3A_184 : i32 to vector<16xi32>
      %add3A_186 = arith.addi %add3A_49, %add3A_185 : vector<16xi32>
      %swap3A_187 = arith.index_cast %add3A_178 : i32 to index
      %swap3A_188 = tpu.vector_load %arg10[%swap3A_187] {strides = array<i32>} : memref<8192xi32, #tpu.memory_space<vmem>>, vector<16xi32>,
      tpu.vector_store %arg10[%swap3A_187], %add3A_186 {strides = array<i32>} : memref<8192xi32, #tpu.memory_space<vmem>>, vector<16xi32>,
      %mul3A_189 = arith.constant 16 : i32
      %mul3A_190 = arith.muli %add3A_23, %mul3A_189 : i32
      %add3A_191 = arith.constant 5120 : i32
      %add3A_192 = arith.addi %add3A_191, %mul3A_190 : i32
      %add3A_193 = arith.constant 16000256 : i32
      %add3A_194 = vector.broadcast %add3A_193 : i32 to vector<16xi32>
      %add3A_195 = arith.addi %add3A_39, %add3A_194 : vector<16xi32>
      %swap3A_196 = arith.index_cast %add3A_192 : i32 to index
      %swap3A_197 = tpu.vector_load %arg9[%swap3A_196] {strides = array<i32>} : memref<8192xi32, #tpu.memory_space<vmem>>, vector<16xi32>,
      tpu.vector_store %arg9[%swap3A_196], %add3A_195 {strides = array<i32>} : memref<8192xi32, #tpu.memory_space<vmem>>, vector<16xi32>,
      %add3A_198 = arith.constant 16000256 : i32
      %add3A_199 = vector.broadcast %add3A_198 : i32 to vector<16xi32>
      %add3A_200 = arith.addi %add3A_49, %add3A_199 : vector<16xi32>
      %swap3A_201 = arith.index_cast %add3A_192 : i32 to index
      %swap3A_202 = tpu.vector_load %arg10[%swap3A_201] {strides = array<i32>} : memref<8192xi32, #tpu.memory_space<vmem>>, vector<16xi32>,
      tpu.vector_store %arg10[%swap3A_201], %add3A_200 {strides = array<i32>} : memref<8192xi32, #tpu.memory_space<vmem>>, vector<16xi32>,
      %mul3A_203 = arith.constant 16 : i32
      %mul3A_204 = arith.muli %add3A_23, %mul3A_203 : i32
      %add3A_205 = arith.constant 5632 : i32
      %add3A_206 = arith.addi %add3A_205, %mul3A_204 : i32
      %add3A_207 = arith.constant 16000384 : i32
      %add3A_208 = vector.broadcast %add3A_207 : i32 to vector<16xi32>
      %add3A_209 = arith.addi %add3A_39, %add3A_208 : vector<16xi32>
      %swap3A_210 = arith.index_cast %add3A_206 : i32 to index
      %swap3A_211 = tpu.vector_load %arg9[%swap3A_210] {strides = array<i32>} : memref<8192xi32, #tpu.memory_space<vmem>>, vector<16xi32>,
      tpu.vector_store %arg9[%swap3A_210], %add3A_209 {strides = array<i32>} : memref<8192xi32, #tpu.memory_space<vmem>>, vector<16xi32>,
      %add3A_212 = arith.constant 16000384 : i32
      %add3A_213 = vector.broadcast %add3A_212 : i32 to vector<16xi32>
      %add3A_214 = arith.addi %add3A_49, %add3A_213 : vector<16xi32>
      %swap3A_215 = arith.index_cast %add3A_206 : i32 to index
      %swap3A_216 = tpu.vector_load %arg10[%swap3A_215] {strides = array<i32>} : memref<8192xi32, #tpu.memory_space<vmem>>, vector<16xi32>,
      tpu.vector_store %arg10[%swap3A_215], %add3A_214 {strides = array<i32>} : memref<8192xi32, #tpu.memory_space<vmem>>, vector<16xi32>,
      %mul3A_217 = arith.constant 16 : i32
      %mul3A_218 = arith.muli %add3A_23, %mul3A_217 : i32
      %add3A_219 = arith.constant 6144 : i32
      %add3A_220 = arith.addi %add3A_219, %mul3A_218 : i32
      %add3A_221 = arith.constant 16000512 : i32
      %add3A_222 = vector.broadcast %add3A_221 : i32 to vector<16xi32>
      %add3A_223 = arith.addi %add3A_39, %add3A_222 : vector<16xi32>
      %swap3A_224 = arith.index_cast %add3A_220 : i32 to index
      %swap3A_225 = tpu.vector_load %arg9[%swap3A_224] {strides = array<i32>} : memref<8192xi32, #tpu.memory_space<vmem>>, vector<16xi32>,
      tpu.vector_store %arg9[%swap3A_224], %add3A_223 {strides = array<i32>} : memref<8192xi32, #tpu.memory_space<vmem>>, vector<16xi32>,
      %add3A_226 = arith.constant 16000512 : i32
      %add3A_227 = vector.broadcast %add3A_226 : i32 to vector<16xi32>
      %add3A_228 = arith.addi %add3A_49, %add3A_227 : vector<16xi32>
      %swap3A_229 = arith.index_cast %add3A_220 : i32 to index
      %swap3A_230 = tpu.vector_load %arg10[%swap3A_229] {strides = array<i32>} : memref<8192xi32, #tpu.memory_space<vmem>>, vector<16xi32>,
      tpu.vector_store %arg10[%swap3A_229], %add3A_228 {strides = array<i32>} : memref<8192xi32, #tpu.memory_space<vmem>>, vector<16xi32>,
      %mul3A_231 = arith.constant 16 : i32
      %mul3A_232 = arith.muli %add3A_23, %mul3A_231 : i32
      %add3A_233 = arith.constant 6656 : i32
      %add3A_234 = arith.addi %add3A_233, %mul3A_232 : i32
      %add3A_235 = arith.constant 16000640 : i32
      %add3A_236 = vector.broadcast %add3A_235 : i32 to vector<16xi32>
      %add3A_237 = arith.addi %add3A_39, %add3A_236 : vector<16xi32>
      %swap3A_238 = arith.index_cast %add3A_234 : i32 to index
      %swap3A_239 = tpu.vector_load %arg9[%swap3A_238] {strides = array<i32>} : memref<8192xi32, #tpu.memory_space<vmem>>, vector<16xi32>,
      tpu.vector_store %arg9[%swap3A_238], %add3A_237 {strides = array<i32>} : memref<8192xi32, #tpu.memory_space<vmem>>, vector<16xi32>,
      %add3A_240 = arith.constant 16000640 : i32
      %add3A_241 = vector.broadcast %add3A_240 : i32 to vector<16xi32>
      %add3A_242 = arith.addi %add3A_49, %add3A_241 : vector<16xi32>
      %swap3A_243 = arith.index_cast %add3A_234 : i32 to index
      %swap3A_244 = tpu.vector_load %arg10[%swap3A_243] {strides = array<i32>} : memref<8192xi32, #tpu.memory_space<vmem>>, vector<16xi32>,
      tpu.vector_store %arg10[%swap3A_243], %add3A_242 {strides = array<i32>} : memref<8192xi32, #tpu.memory_space<vmem>>, vector<16xi32>,
      %mul3A_245 = arith.constant 16 : i32
      %mul3A_246 = arith.muli %add3A_23, %mul3A_245 : i32
      %add3A_247 = arith.constant 7168 : i32
      %add3A_248 = arith.addi %add3A_247, %mul3A_246 : i32
      %add3A_249 = arith.constant 16000768 : i32
      %add3A_250 = vector.broadcast %add3A_249 : i32 to vector<16xi32>
      %add3A_251 = arith.addi %add3A_39, %add3A_250 : vector<16xi32>
      %swap3A_252 = arith.index_cast %add3A_248 : i32 to index
      %swap3A_253 = tpu.vector_load %arg9[%swap3A_252] {strides = array<i32>} : memref<8192xi32, #tpu.memory_space<vmem>>, vector<16xi32>,
      tpu.vector_store %arg9[%swap3A_252], %add3A_251 {strides = array<i32>} : memref<8192xi32, #tpu.memory_space<vmem>>, vector<16xi32>,
      %add3A_254 = arith.constant 16000768 : i32
      %add3A_255 = vector.broadcast %add3A_254 : i32 to vector<16xi32>
      %add3A_256 = arith.addi %add3A_49, %add3A_255 : vector<16xi32>
      %swap3A_257 = arith.index_cast %add3A_248 : i32 to index
      %swap3A_258 = tpu.vector_load %arg10[%swap3A_257] {strides = array<i32>} : memref<8192xi32, #tpu.memory_space<vmem>>, vector<16xi32>,
      tpu.vector_store %arg10[%swap3A_257], %add3A_256 {strides = array<i32>} : memref<8192xi32, #tpu.memory_space<vmem>>, vector<16xi32>,
      %mul3A_259 = arith.constant 16 : i32
      %mul3A_260 = arith.muli %add3A_23, %mul3A_259 : i32
      %add3A_261 = arith.constant 7680 : i32
      %add3A_262 = arith.addi %add3A_261, %mul3A_260 : i32
      %add3A_263 = arith.constant 16000896 : i32
      %add3A_264 = vector.broadcast %add3A_263 : i32 to vector<16xi32>
      %add3A_265 = arith.addi %add3A_39, %add3A_264 : vector<16xi32>
      %swap3A_266 = arith.index_cast %add3A_262 : i32 to index
      %swap3A_267 = tpu.vector_load %arg9[%swap3A_266] {strides = array<i32>} : memref<8192xi32, #tpu.memory_space<vmem>>, vector<16xi32>,
      tpu.vector_store %arg9[%swap3A_266], %add3A_265 {strides = array<i32>} : memref<8192xi32, #tpu.memory_space<vmem>>, vector<16xi32>,
      %add3A_268 = arith.constant 16000896 : i32
      %add3A_269 = vector.broadcast %add3A_268 : i32 to vector<16xi32>
      %add3A_270 = arith.addi %add3A_49, %add3A_269 : vector<16xi32>
      %swap3A_271 = arith.index_cast %add3A_262 : i32 to index
      %swap3A_272 = tpu.vector_load %arg10[%swap3A_271] {strides = array<i32>} : memref<8192xi32, #tpu.memory_space<vmem>>, vector<16xi32>,
      tpu.vector_store %arg10[%swap3A_271], %add3A_270 {strides = array<i32>} : memref<8192xi32, #tpu.memory_space<vmem>>, vector<16xi32>,
    }
    %scan3A_6 = arith.constant 32 : i32
    %dma_start3A = arith.constant 0 : i32
    %dma_start3A_7 = tpu.memref_slice %arg4[%dma_start3A] : memref<32000000xf32, #tpu.memory_space<hbm>> -> memref<32000000xf32, #tpu.memory_space<hbm>>
    tpu.enqueue_indirect_dma source(%dma_start3A_7 : memref<32000000xf32, #tpu.memory_space<hbm>>) target(%arg11 : memref<8192xf32, #tpu.memory_space<vmem>>) offsets(%arg9 : memref<8192xi32, #tpu.memory_space<vmem>>) semaphore(%arg15 : memref<!tpu.dma_semaphore, #tpu.memory_space<semaphore_mem>>)
    %dma_start3A_8 = arith.constant 0 : i32
    %dma_start3A_9 = tpu.memref_slice %arg4[%dma_start3A_8] : memref<32000000xf32, #tpu.memory_space<hbm>> -> memref<32000000xf32, #tpu.memory_space<hbm>>
    tpu.enqueue_indirect_dma source(%dma_start3A_9 : memref<32000000xf32, #tpu.memory_space<hbm>>) target(%arg12 : memref<8192xf32, #tpu.memory_space<vmem>>) offsets(%arg10 : memref<8192xi32, #tpu.memory_space<vmem>>) semaphore(%arg15 : memref<!tpu.dma_semaphore, #tpu.memory_space<semaphore_mem>>)
    %dma_wait3A = arith.constant 0 : i32
    %dma_wait3A_10 = tpu.memref_slice %arg4[%dma_wait3A] : memref<32000000xf32, #tpu.memory_space<hbm>> -> memref<32000000xf32, #tpu.memory_space<hbm>>
    tpu.wait_indirect_dma semaphore(%arg15 : memref<!tpu.dma_semaphore, #tpu.memory_space<semaphore_mem>>) src(%dma_wait3A_10 : memref<32000000xf32, #tpu.memory_space<hbm>>) dst(%arg11 : memref<8192xf32, #tpu.memory_space<vmem>>)
    %dma_wait3A_11 = arith.constant 0 : i32
    %dma_wait3A_12 = tpu.memref_slice %arg4[%dma_wait3A_11] : memref<32000000xf32, #tpu.memory_space<hbm>> -> memref<32000000xf32, #tpu.memory_space<hbm>>
    tpu.wait_indirect_dma semaphore(%arg15 : memref<!tpu.dma_semaphore, #tpu.memory_space<semaphore_mem>>) src(%dma_wait3A_12 : memref<32000000xf32, #tpu.memory_space<hbm>>) dst(%arg12 : memref<8192xf32, #tpu.memory_space<vmem>>)
    %get3A = arith.constant 0 : index
    %get3A_13 = tpu.vector_load %arg14[%get3A] {strides = array<i32>} : memref<16xf32, #tpu.memory_space<vmem>>, vector<16xf32>,
    %scan3A_14 = arith.constant 0 : i32
    %scan3A_15 = arith.constant 32 : i32
    %scan3A_16 = arith.addi %scan3A_14, %scan3A_15 : i32
    %scan3A_17 = arith.constant 1 : i32
    scf.for %scan3A_19 = %scan3A_14 to %scan3A_16 step %scan3A_17  : i32 {
      %mul3A_20 = arith.constant 1 : i32
      %mul3A_21 = arith.muli %scan3A_19, %mul3A_20 : i32
      %add3A_22 = arith.constant 0 : i32
      %add3A_23 = arith.addi %add3A_22, %mul3A_21 : i32
      %mul3A_24 = arith.constant 16 : i32
      %mul3A_25 = arith.muli %add3A_23, %mul3A_24 : i32
      %mul3A_26 = arith.constant 16 : i32
      %mul3A_27 = arith.muli %add3A_23, %mul3A_26 : i32
      %add3A_28 = arith.constant 0 : i32
      %add3A_29 = arith.addi %add3A_28, %mul3A_27 : i32
      %get3A_30 = arith.index_cast %add3A_29 : i32 to index
      %get3A_31 = tpu.vector_load %arg11[%get3A_30] {strides = array<i32>} : memref<8192xf32, #tpu.memory_space<vmem>>, vector<16xf32>,
      %get3A_32 = arith.index_cast %add3A_29 : i32 to index
      %get3A_33 = tpu.vector_load %arg12[%get3A_32] {strides = array<i32>} : memref<8192xf32, #tpu.memory_space<vmem>>, vector<16xf32>,
      %mul3A_34 = arith.mulf %get3A_31, %get3A_33 : vector<16xf32>
      %add3A_35 = arith.addf %get3A_13, %mul3A_34 : vector<16xf32>
      %mul3A_36 = arith.constant 16 : i32
      %mul3A_37 = arith.muli %add3A_23, %mul3A_36 : i32
      %add3A_38 = arith.constant 512 : i32
      %add3A_39 = arith.addi %add3A_38, %mul3A_37 : i32
      %get3A_40 = arith.index_cast %add3A_39 : i32 to index
      %get3A_41 = tpu.vector_load %arg11[%get3A_40] {strides = array<i32>} : memref<8192xf32, #tpu.memory_space<vmem>>, vector<16xf32>,
      %get3A_42 = arith.index_cast %add3A_39 : i32 to index
      %get3A_43 = tpu.vector_load %arg12[%get3A_42] {strides = array<i32>} : memref<8192xf32, #tpu.memory_space<vmem>>, vector<16xf32>,
      %mul3A_44 = arith.mulf %get3A_41, %get3A_43 : vector<16xf32>
      %add3A_45 = arith.addf %add3A_35, %mul3A_44 : vector<16xf32>
      %mul3A_46 = arith.constant 16 : i32
      %mul3A_47 = arith.muli %add3A_23, %mul3A_46 : i32
      %add3A_48 = arith.constant 1024 : i32
      %add3A_49 = arith.addi %add3A_48, %mul3A_47 : i32
      %get3A_50 = arith.index_cast %add3A_49 : i32 to index
      %get3A_51 = tpu.vector_load %arg11[%get3A_50] {strides = array<i32>} : memref<8192xf32, #tpu.memory_space<vmem>>, vector<16xf32>,
      %get3A_52 = arith.index_cast %add3A_49 : i32 to index
      %get3A_53 = tpu.vector_load %arg12[%get3A_52] {strides = array<i32>} : memref<8192xf32, #tpu.memory_space<vmem>>, vector<16xf32>,
      %mul3A_54 = arith.mulf %get3A_51, %get3A_53 : vector<16xf32>
      %add3A_55 = arith.addf %add3A_45, %mul3A_54 : vector<16xf32>
      %mul3A_56 = arith.constant 16 : i32
      %mul3A_57 = arith.muli %add3A_23, %mul3A_56 : i32
      %add3A_58 = arith.constant 1536 : i32
      %add3A_59 = arith.addi %add3A_58, %mul3A_57 : i32
      %get3A_60 = arith.index_cast %add3A_59 : i32 to index
      %get3A_61 = tpu.vector_load %arg11[%get3A_60] {strides = array<i32>} : memref<8192xf32, #tpu.memory_space<vmem>>, vector<16xf32>,
      %get3A_62 = arith.index_cast %add3A_59 : i32 to index
      %get3A_63 = tpu.vector_load %arg12[%get3A_62] {strides = array<i32>} : memref<8192xf32, #tpu.memory_space<vmem>>, vector<16xf32>,
      %mul3A_64 = arith.mulf %get3A_61, %get3A_63 : vector<16xf32>
      %add3A_65 = arith.addf %add3A_55, %mul3A_64 : vector<16xf32>
      %mul3A_66 = arith.constant 16 : i32
      %mul3A_67 = arith.muli %add3A_23, %mul3A_66 : i32
      %add3A_68 = arith.constant 2048 : i32
      %add3A_69 = arith.addi %add3A_68, %mul3A_67 : i32
      %get3A_70 = arith.index_cast %add3A_69 : i32 to index
      %get3A_71 = tpu.vector_load %arg11[%get3A_70] {strides = array<i32>} : memref<8192xf32, #tpu.memory_space<vmem>>, vector<16xf32>,
      %get3A_72 = arith.index_cast %add3A_69 : i32 to index
      %get3A_73 = tpu.vector_load %arg12[%get3A_72] {strides = array<i32>} : memref<8192xf32, #tpu.memory_space<vmem>>, vector<16xf32>,
      %mul3A_74 = arith.mulf %get3A_71, %get3A_73 : vector<16xf32>
      %add3A_75 = arith.addf %add3A_65, %mul3A_74 : vector<16xf32>
      %mul3A_76 = arith.constant 16 : i32
      %mul3A_77 = arith.muli %add3A_23, %mul3A_76 : i32
      %add3A_78 = arith.constant 2560 : i32
      %add3A_79 = arith.addi %add3A_78, %mul3A_77 : i32
      %get3A_80 = arith.index_cast %add3A_79 : i32 to index
      %get3A_81 = tpu.vector_load %arg11[%get3A_80] {strides = array<i32>} : memref<8192xf32, #tpu.memory_space<vmem>>, vector<16xf32>,
      %get3A_82 = arith.index_cast %add3A_79 : i32 to index
      %get3A_83 = tpu.vector_load %arg12[%get3A_82] {strides = array<i32>} : memref<8192xf32, #tpu.memory_space<vmem>>, vector<16xf32>,
      %mul3A_84 = arith.mulf %get3A_81, %get3A_83 : vector<16xf32>
      %add3A_85 = arith.addf %add3A_75, %mul3A_84 : vector<16xf32>
      %mul3A_86 = arith.constant 16 : i32
      %mul3A_87 = arith.muli %add3A_23, %mul3A_86 : i32
      %add3A_88 = arith.constant 3072 : i32
      %add3A_89 = arith.addi %add3A_88, %mul3A_87 : i32
      %get3A_90 = arith.index_cast %add3A_89 : i32 to index
      %get3A_91 = tpu.vector_load %arg11[%get3A_90] {strides = array<i32>} : memref<8192xf32, #tpu.memory_space<vmem>>, vector<16xf32>,
      %get3A_92 = arith.index_cast %add3A_89 : i32 to index
      %get3A_93 = tpu.vector_load %arg12[%get3A_92] {strides = array<i32>} : memref<8192xf32, #tpu.memory_space<vmem>>, vector<16xf32>,
      %mul3A_94 = arith.mulf %get3A_91, %get3A_93 : vector<16xf32>
      %add3A_95 = arith.addf %add3A_85, %mul3A_94 : vector<16xf32>
      %mul3A_96 = arith.constant 16 : i32
      %mul3A_97 = arith.muli %add3A_23, %mul3A_96 : i32
      %add3A_98 = arith.constant 3584 : i32
      %add3A_99 = arith.addi %add3A_98, %mul3A_97 : i32
      %get3A_100 = arith.index_cast %add3A_99 : i32 to index
      %get3A_101 = tpu.vector_load %arg11[%get3A_100] {strides = array<i32>} : memref<8192xf32, #tpu.memory_space<vmem>>, vector<16xf32>,
      %get3A_102 = arith.index_cast %add3A_99 : i32 to index
      %get3A_103 = tpu.vector_load %arg12[%get3A_102] {strides = array<i32>} : memref<8192xf32, #tpu.memory_space<vmem>>, vector<16xf32>,
      %mul3A_104 = arith.mulf %get3A_101, %get3A_103 : vector<16xf32>
      %add3A_105 = arith.addf %add3A_95, %mul3A_104 : vector<16xf32>
      %mul3A_106 = arith.constant 16 : i32
      %mul3A_107 = arith.muli %add3A_23, %mul3A_106 : i32
      %add3A_108 = arith.constant 4096 : i32
      %add3A_109 = arith.addi %add3A_108, %mul3A_107 : i32
      %get3A_110 = arith.index_cast %add3A_109 : i32 to index
      %get3A_111 = tpu.vector_load %arg11[%get3A_110] {strides = array<i32>} : memref<8192xf32, #tpu.memory_space<vmem>>, vector<16xf32>,
      %get3A_112 = arith.index_cast %add3A_109 : i32 to index
      %get3A_113 = tpu.vector_load %arg12[%get3A_112] {strides = array<i32>} : memref<8192xf32, #tpu.memory_space<vmem>>, vector<16xf32>,
      %mul3A_114 = arith.mulf %get3A_111, %get3A_113 : vector<16xf32>
      %add3A_115 = arith.addf %add3A_105, %mul3A_114 : vector<16xf32>
      %mul3A_116 = arith.constant 16 : i32
      %mul3A_117 = arith.muli %add3A_23, %mul3A_116 : i32
      %add3A_118 = arith.constant 4608 : i32
      %add3A_119 = arith.addi %add3A_118, %mul3A_117 : i32
      %get3A_120 = arith.index_cast %add3A_119 : i32 to index
      %get3A_121 = tpu.vector_load %arg11[%get3A_120] {strides = array<i32>} : memref<8192xf32, #tpu.memory_space<vmem>>, vector<16xf32>,
      %get3A_122 = arith.index_cast %add3A_119 : i32 to index
      %get3A_123 = tpu.vector_load %arg12[%get3A_122] {strides = array<i32>} : memref<8192xf32, #tpu.memory_space<vmem>>, vector<16xf32>,
      %mul3A_124 = arith.mulf %get3A_121, %get3A_123 : vector<16xf32>
      %add3A_125 = arith.addf %add3A_115, %mul3A_124 : vector<16xf32>
      %mul3A_126 = arith.constant 16 : i32
      %mul3A_127 = arith.muli %add3A_23, %mul3A_126 : i32
      %add3A_128 = arith.constant 5120 : i32
      %add3A_129 = arith.addi %add3A_128, %mul3A_127 : i32
      %get3A_130 = arith.index_cast %add3A_129 : i32 to index
      %get3A_131 = tpu.vector_load %arg11[%get3A_130] {strides = array<i32>} : memref<8192xf32, #tpu.memory_space<vmem>>, vector<16xf32>,
      %get3A_132 = arith.index_cast %add3A_129 : i32 to index
      %get3A_133 = tpu.vector_load %arg12[%get3A_132] {strides = array<i32>} : memref<8192xf32, #tpu.memory_space<vmem>>, vector<16xf32>,
      %mul3A_134 = arith.mulf %get3A_131, %get3A_133 : vector<16xf32>
      %add3A_135 = arith.addf %add3A_125, %mul3A_134 : vector<16xf32>
      %mul3A_136 = arith.constant 16 : i32
      %mul3A_137 = arith.muli %add3A_23, %mul3A_136 : i32
      %add3A_138 = arith.constant 5632 : i32
      %add3A_139 = arith.addi %add3A_138, %mul3A_137 : i32
      %get3A_140 = arith.index_cast %add3A_139 : i32 to index
      %get3A_141 = tpu.vector_load %arg11[%get3A_140] {strides = array<i32>} : memref<8192xf32, #tpu.memory_space<vmem>>, vector<16xf32>,
      %get3A_142 = arith.index_cast %add3A_139 : i32 to index
      %get3A_143 = tpu.vector_load %arg12[%get3A_142] {strides = array<i32>} : memref<8192xf32, #tpu.memory_space<vmem>>, vector<16xf32>,
      %mul3A_144 = arith.mulf %get3A_141, %get3A_143 : vector<16xf32>
      %add3A_145 = arith.addf %add3A_135, %mul3A_144 : vector<16xf32>
      %mul3A_146 = arith.constant 16 : i32
      %mul3A_147 = arith.muli %add3A_23, %mul3A_146 : i32
      %add3A_148 = arith.constant 6144 : i32
      %add3A_149 = arith.addi %add3A_148, %mul3A_147 : i32
      %get3A_150 = arith.index_cast %add3A_149 : i32 to index
      %get3A_151 = tpu.vector_load %arg11[%get3A_150] {strides = array<i32>} : memref<8192xf32, #tpu.memory_space<vmem>>, vector<16xf32>,
      %get3A_152 = arith.index_cast %add3A_149 : i32 to index
      %get3A_153 = tpu.vector_load %arg12[%get3A_152] {strides = array<i32>} : memref<8192xf32, #tpu.memory_space<vmem>>, vector<16xf32>,
      %mul3A_154 = arith.mulf %get3A_151, %get3A_153 : vector<16xf32>
      %add3A_155 = arith.addf %add3A_145, %mul3A_154 : vector<16xf32>
      %mul3A_156 = arith.constant 16 : i32
      %mul3A_157 = arith.muli %add3A_23, %mul3A_156 : i32
      %add3A_158 = arith.constant 6656 : i32
      %add3A_159 = arith.addi %add3A_158, %mul3A_157 : i32
      %get3A_160 = arith.index_cast %add3A_159 : i32 to index
      %get3A_161 = tpu.vector_load %arg11[%get3A_160] {strides = array<i32>} : memref<8192xf32, #tpu.memory_space<vmem>>, vector<16xf32>,
      %get3A_162 = arith.index_cast %add3A_159 : i32 to index
      %get3A_163 = tpu.vector_load %arg12[%get3A_162] {strides = array<i32>} : memref<8192xf32, #tpu.memory_space<vmem>>, vector<16xf32>,
      %mul3A_164 = arith.mulf %get3A_161, %get3A_163 : vector<16xf32>
      %add3A_165 = arith.addf %add3A_155, %mul3A_164 : vector<16xf32>
      %mul3A_166 = arith.constant 16 : i32
      %mul3A_167 = arith.muli %add3A_23, %mul3A_166 : i32
      %add3A_168 = arith.constant 7168 : i32
      %add3A_169 = arith.addi %add3A_168, %mul3A_167 : i32
      %get3A_170 = arith.index_cast %add3A_169 : i32 to index
      %get3A_171 = tpu.vector_load %arg11[%get3A_170] {strides = array<i32>} : memref<8192xf32, #tpu.memory_space<vmem>>, vector<16xf32>,
      %get3A_172 = arith.index_cast %add3A_169 : i32 to index
      %get3A_173 = tpu.vector_load %arg12[%get3A_172] {strides = array<i32>} : memref<8192xf32, #tpu.memory_space<vmem>>, vector<16xf32>,
      %mul3A_174 = arith.mulf %get3A_171, %get3A_173 : vector<16xf32>
      %add3A_175 = arith.addf %add3A_165, %mul3A_174 : vector<16xf32>
      %mul3A_176 = arith.constant 16 : i32
      %mul3A_177 = arith.muli %add3A_23, %mul3A_176 : i32
      %add3A_178 = arith.constant 7680 : i32
      %add3A_179 = arith.addi %add3A_178, %mul3A_177 : i32
      %get3A_180 = arith.index_cast %add3A_179 : i32 to index
      %get3A_181 = tpu.vector_load %arg11[%get3A_180] {strides = array<i32>} : memref<8192xf32, #tpu.memory_space<vmem>>, vector<16xf32>,
      %get3A_182 = arith.index_cast %add3A_179 : i32 to index
      %get3A_183 = tpu.vector_load %arg12[%get3A_182] {strides = array<i32>} : memref<8192xf32, #tpu.memory_space<vmem>>, vector<16xf32>,
      %mul3A_184 = arith.mulf %get3A_181, %get3A_183 : vector<16xf32>
      %add3A_185 = arith.addf %add3A_175, %mul3A_184 : vector<16xf32>
      %swap3A = arith.index_cast %mul3A_25 : i32 to index
      %swap3A_186 = tpu.vector_load %arg13[%swap3A] {strides = array<i32>} : memref<512xf32, #tpu.memory_space<vmem>>, vector<16xf32>,
      tpu.vector_store %arg13[%swap3A], %add3A_185 {strides = array<i32>} : memref<512xf32, #tpu.memory_space<vmem>>, vector<16xf32>,
    }
    %scan3A_18 = arith.constant 32 : i32
    "tpu.region"() ({
      %run_scoped3A = tpu.sem_alloc : memref<!tpu.dma_semaphore, #tpu.memory_space<semaphore_mem>>
      %dma_start3A_19 = tpu.memref_slice %arg6[%mul3A_2] : memref<16384xf32, #tpu.memory_space<hbm>> -> memref<512xf32, #tpu.memory_space<hbm>>
      %dma_start3A_20 = tpu.memref_slice %arg6[%mul3A_2] : memref<16384xf32, #tpu.memory_space<hbm>> -> memref<512xf32, #tpu.memory_space<hbm>>
      tpu.enqueue_dma source(%arg13 : memref<512xf32, #tpu.memory_space<vmem>>) target(%dma_start3A_20 : memref<512xf32, #tpu.memory_space<hbm>>) target_semaphore(%run_scoped3A : memref<!tpu.dma_semaphore, #tpu.memory_space<semaphore_mem>>)
      %dma_wait3A_21 = tpu.memref_slice %arg6[%mul3A_2] : memref<16384xf32, #tpu.memory_space<hbm>> -> memref<512xf32, #tpu.memory_space<hbm>>
      %dma_wait3A_22 = tpu.memref_slice %arg6[%mul3A_2] : memref<16384xf32, #tpu.memory_space<hbm>> -> memref<512xf32, #tpu.memory_space<hbm>>
      tpu.wait_dma2 semaphore(%run_scoped3A : memref<!tpu.dma_semaphore, #tpu.memory_space<semaphore_mem>>) src(%arg13 : memref<512xf32, #tpu.memory_space<vmem>>) dst(%dma_wait3A_22 : memref<512xf32, #tpu.memory_space<hbm>>)
      tpu.yield
    }) : () -> ()
    return
  }
}

#map = affine_map<(d0, d1) -> (0)>
module attributes {stable_mosaic.version = 14 : i64} {
  func.func @_lin_sc_body(%arg0: i32, %arg1: i32, %arg2: memref<16384xi32, #tpu.memory_space<hbm>>, %arg3: memref<16384xi32, #tpu.memory_space<hbm>>, %arg4: memref<2000000xf32, #tpu.memory_space<hbm>>, %arg5: memref<16384xf32, #tpu.memory_space<hbm>>, %arg6: memref<16384xf32, #tpu.memory_space<hbm>>, %arg7: memref<512xi32, #tpu.memory_space<vmem>>, %arg8: memref<512xi32, #tpu.memory_space<vmem>>, %arg9: memref<512xf32, #tpu.memory_space<vmem>>, %arg10: memref<512xf32, #tpu.memory_space<vmem>>, %arg11: memref<512xf32, #tpu.memory_space<vmem>>, %arg12: memref<!tpu.dma_semaphore, #tpu.memory_space<semaphore_mem>>) attributes {dimension_semantics = [#tpu.dimension_semantics<core_parallel>, #tpu.dimension_semantics<subcore_parallel>], iteration_bounds = array<i64: 2, 16>, scalar_prefetch = 0 : i64, scratch_operands = 6 : i64, tpu.core_type = #tpu.core_type<sc_vector_subcore>, window_params = [{transform_indices = #map}, {transform_indices = #map}, {transform_indices = #map}, {transform_indices = #map}, {transform_indices = #map}]} {
    %mul3A = arith.constant 2 : i32
    %mul3A_0 = arith.muli %arg1, %mul3A : i32
    %add3A = arith.addi %mul3A_0, %arg0 : i32
    %mul3A_1 = arith.constant 512 : i32
    %mul3A_2 = arith.muli %add3A, %mul3A_1 : i32
    "tpu.region"() ({
      %run_scoped3A = tpu.sem_alloc : memref<!tpu.dma_semaphore, #tpu.memory_space<semaphore_mem>>
      %dma_start3A_18 = tpu.memref_slice %arg2[%mul3A_2] : memref<16384xi32, #tpu.memory_space<hbm>> -> memref<512xi32, #tpu.memory_space<hbm>>
      %dma_start3A_19 = tpu.memref_slice %arg2[%mul3A_2] : memref<16384xi32, #tpu.memory_space<hbm>> -> memref<512xi32, #tpu.memory_space<hbm>>
      tpu.enqueue_dma source(%dma_start3A_19 : memref<512xi32, #tpu.memory_space<hbm>>) target(%arg7 : memref<512xi32, #tpu.memory_space<vmem>>) target_semaphore(%run_scoped3A : memref<!tpu.dma_semaphore, #tpu.memory_space<semaphore_mem>>)
      %dma_wait3A_20 = tpu.memref_slice %arg2[%mul3A_2] : memref<16384xi32, #tpu.memory_space<hbm>> -> memref<512xi32, #tpu.memory_space<hbm>>
      %dma_wait3A_21 = tpu.memref_slice %arg2[%mul3A_2] : memref<16384xi32, #tpu.memory_space<hbm>> -> memref<512xi32, #tpu.memory_space<hbm>>
      tpu.wait_dma2 semaphore(%run_scoped3A : memref<!tpu.dma_semaphore, #tpu.memory_space<semaphore_mem>>) src(%dma_wait3A_21 : memref<512xi32, #tpu.memory_space<hbm>>) dst(%arg7 : memref<512xi32, #tpu.memory_space<vmem>>)
      tpu.yield
    }) : () -> ()
    "tpu.region"() ({
      %run_scoped3A = tpu.sem_alloc : memref<!tpu.dma_semaphore, #tpu.memory_space<semaphore_mem>>
      %dma_start3A_18 = tpu.memref_slice %arg3[%mul3A_2] : memref<16384xi32, #tpu.memory_space<hbm>> -> memref<512xi32, #tpu.memory_space<hbm>>
      %dma_start3A_19 = tpu.memref_slice %arg3[%mul3A_2] : memref<16384xi32, #tpu.memory_space<hbm>> -> memref<512xi32, #tpu.memory_space<hbm>>
      tpu.enqueue_dma source(%dma_start3A_19 : memref<512xi32, #tpu.memory_space<hbm>>) target(%arg8 : memref<512xi32, #tpu.memory_space<vmem>>) target_semaphore(%run_scoped3A : memref<!tpu.dma_semaphore, #tpu.memory_space<semaphore_mem>>)
      %dma_wait3A_20 = tpu.memref_slice %arg3[%mul3A_2] : memref<16384xi32, #tpu.memory_space<hbm>> -> memref<512xi32, #tpu.memory_space<hbm>>
      %dma_wait3A_21 = tpu.memref_slice %arg3[%mul3A_2] : memref<16384xi32, #tpu.memory_space<hbm>> -> memref<512xi32, #tpu.memory_space<hbm>>
      tpu.wait_dma2 semaphore(%run_scoped3A : memref<!tpu.dma_semaphore, #tpu.memory_space<semaphore_mem>>) src(%dma_wait3A_21 : memref<512xi32, #tpu.memory_space<hbm>>) dst(%arg8 : memref<512xi32, #tpu.memory_space<vmem>>)
      tpu.yield
    }) : () -> ()
    "tpu.region"() ({
      %run_scoped3A = tpu.sem_alloc : memref<!tpu.dma_semaphore, #tpu.memory_space<semaphore_mem>>
      %dma_start3A_18 = tpu.memref_slice %arg5[%mul3A_2] : memref<16384xf32, #tpu.memory_space<hbm>> -> memref<512xf32, #tpu.memory_space<hbm>>
      %dma_start3A_19 = tpu.memref_slice %arg5[%mul3A_2] : memref<16384xf32, #tpu.memory_space<hbm>> -> memref<512xf32, #tpu.memory_space<hbm>>
      tpu.enqueue_dma source(%dma_start3A_19 : memref<512xf32, #tpu.memory_space<hbm>>) target(%arg11 : memref<512xf32, #tpu.memory_space<vmem>>) target_semaphore(%run_scoped3A : memref<!tpu.dma_semaphore, #tpu.memory_space<semaphore_mem>>)
      %dma_wait3A_20 = tpu.memref_slice %arg5[%mul3A_2] : memref<16384xf32, #tpu.memory_space<hbm>> -> memref<512xf32, #tpu.memory_space<hbm>>
      %dma_wait3A_21 = tpu.memref_slice %arg5[%mul3A_2] : memref<16384xf32, #tpu.memory_space<hbm>> -> memref<512xf32, #tpu.memory_space<hbm>>
      tpu.wait_dma2 semaphore(%run_scoped3A : memref<!tpu.dma_semaphore, #tpu.memory_space<semaphore_mem>>) src(%dma_wait3A_21 : memref<512xf32, #tpu.memory_space<hbm>>) dst(%arg11 : memref<512xf32, #tpu.memory_space<vmem>>)
      tpu.yield
    }) : () -> ()
    %scan3A = arith.constant 0 : i32
    %scan3A_3 = arith.constant 32 : i32
    %scan3A_4 = arith.addi %scan3A, %scan3A_3 : i32
    %scan3A_5 = arith.constant 1 : i32
    scf.for %scan3A_18 = %scan3A to %scan3A_4 step %scan3A_5  : i32 {
      %mul3A_19 = arith.constant 1 : i32
      %mul3A_20 = arith.muli %scan3A_18, %mul3A_19 : i32
      %add3A_21 = arith.constant 0 : i32
      %add3A_22 = arith.addi %add3A_21, %mul3A_20 : i32
      %mul3A_23 = arith.constant 16 : i32
      %mul3A_24 = arith.muli %add3A_22, %mul3A_23 : i32
      %get3A = arith.index_cast %mul3A_24 : i32 to index
      %get3A_25 = tpu.vector_load %arg8[%get3A] {strides = array<i32>} : memref<512xi32, #tpu.memory_space<vmem>>, vector<16xi32>,
      %add3A_26 = arith.constant 1000000 : i32
      %add3A_27 = vector.broadcast %add3A_26 : i32 to vector<16xi32>
      %add3A_28 = arith.addi %get3A_25, %add3A_27 : vector<16xi32>
      %swap3A = arith.index_cast %mul3A_24 : i32 to index
      %swap3A_29 = tpu.vector_load %arg8[%swap3A] {strides = array<i32>} : memref<512xi32, #tpu.memory_space<vmem>>, vector<16xi32>,
      tpu.vector_store %arg8[%swap3A], %add3A_28 {strides = array<i32>} : memref<512xi32, #tpu.memory_space<vmem>>, vector<16xi32>,
    }
    %scan3A_6 = arith.constant 32 : i32
    %dma_start3A = arith.constant 0 : i32
    %dma_start3A_7 = tpu.memref_slice %arg4[%dma_start3A] : memref<2000000xf32, #tpu.memory_space<hbm>> -> memref<2000000xf32, #tpu.memory_space<hbm>>
    tpu.enqueue_indirect_dma source(%dma_start3A_7 : memref<2000000xf32, #tpu.memory_space<hbm>>) target(%arg9 : memref<512xf32, #tpu.memory_space<vmem>>) offsets(%arg7 : memref<512xi32, #tpu.memory_space<vmem>>) semaphore(%arg12 : memref<!tpu.dma_semaphore, #tpu.memory_space<semaphore_mem>>)
    %dma_start3A_8 = arith.constant 0 : i32
    %dma_start3A_9 = tpu.memref_slice %arg4[%dma_start3A_8] : memref<2000000xf32, #tpu.memory_space<hbm>> -> memref<2000000xf32, #tpu.memory_space<hbm>>
    tpu.enqueue_indirect_dma source(%dma_start3A_9 : memref<2000000xf32, #tpu.memory_space<hbm>>) target(%arg10 : memref<512xf32, #tpu.memory_space<vmem>>) offsets(%arg8 : memref<512xi32, #tpu.memory_space<vmem>>) semaphore(%arg12 : memref<!tpu.dma_semaphore, #tpu.memory_space<semaphore_mem>>)
    %dma_wait3A = arith.constant 0 : i32
    %dma_wait3A_10 = tpu.memref_slice %arg4[%dma_wait3A] : memref<2000000xf32, #tpu.memory_space<hbm>> -> memref<2000000xf32, #tpu.memory_space<hbm>>
    tpu.wait_indirect_dma semaphore(%arg12 : memref<!tpu.dma_semaphore, #tpu.memory_space<semaphore_mem>>) src(%dma_wait3A_10 : memref<2000000xf32, #tpu.memory_space<hbm>>) dst(%arg9 : memref<512xf32, #tpu.memory_space<vmem>>)
    %dma_wait3A_11 = arith.constant 0 : i32
    %dma_wait3A_12 = tpu.memref_slice %arg4[%dma_wait3A_11] : memref<2000000xf32, #tpu.memory_space<hbm>> -> memref<2000000xf32, #tpu.memory_space<hbm>>
    tpu.wait_indirect_dma semaphore(%arg12 : memref<!tpu.dma_semaphore, #tpu.memory_space<semaphore_mem>>) src(%dma_wait3A_12 : memref<2000000xf32, #tpu.memory_space<hbm>>) dst(%arg10 : memref<512xf32, #tpu.memory_space<vmem>>)
    %scan3A_13 = arith.constant 0 : i32
    %scan3A_14 = arith.constant 32 : i32
    %scan3A_15 = arith.addi %scan3A_13, %scan3A_14 : i32
    %scan3A_16 = arith.constant 1 : i32
    scf.for %scan3A_18 = %scan3A_13 to %scan3A_15 step %scan3A_16  : i32 {
      %mul3A_19 = arith.constant 1 : i32
      %mul3A_20 = arith.muli %scan3A_18, %mul3A_19 : i32
      %add3A_21 = arith.constant 0 : i32
      %add3A_22 = arith.addi %add3A_21, %mul3A_20 : i32
      %mul3A_23 = arith.constant 16 : i32
      %mul3A_24 = arith.muli %add3A_22, %mul3A_23 : i32
      %get3A = arith.index_cast %mul3A_24 : i32 to index
      %get3A_25 = tpu.vector_load %arg11[%get3A] {strides = array<i32>} : memref<512xf32, #tpu.memory_space<vmem>>, vector<16xf32>,
      %get3A_26 = arith.index_cast %mul3A_24 : i32 to index
      %get3A_27 = tpu.vector_load %arg9[%get3A_26] {strides = array<i32>} : memref<512xf32, #tpu.memory_space<vmem>>, vector<16xf32>,
      %add3A_28 = arith.addf %get3A_25, %get3A_27 : vector<16xf32>
      %get3A_29 = arith.index_cast %mul3A_24 : i32 to index
      %get3A_30 = tpu.vector_load %arg10[%get3A_29] {strides = array<i32>} : memref<512xf32, #tpu.memory_space<vmem>>, vector<16xf32>,
      %add3A_31 = arith.addf %add3A_28, %get3A_30 : vector<16xf32>
      %swap3A = arith.index_cast %mul3A_24 : i32 to index
      %swap3A_32 = tpu.vector_load %arg11[%swap3A] {strides = array<i32>} : memref<512xf32, #tpu.memory_space<vmem>>, vector<16xf32>,
      tpu.vector_store %arg11[%swap3A], %add3A_31 {strides = array<i32>} : memref<512xf32, #tpu.memory_space<vmem>>, vector<16xf32>,
    }
    %scan3A_17 = arith.constant 32 : i32
    "tpu.region"() ({
      %run_scoped3A = tpu.sem_alloc : memref<!tpu.dma_semaphore, #tpu.memory_space<semaphore_mem>>
      %dma_start3A_18 = tpu.memref_slice %arg6[%mul3A_2] : memref<16384xf32, #tpu.memory_space<hbm>> -> memref<512xf32, #tpu.memory_space<hbm>>
      %dma_start3A_19 = tpu.memref_slice %arg6[%mul3A_2] : memref<16384xf32, #tpu.memory_space<hbm>> -> memref<512xf32, #tpu.memory_space<hbm>>
      tpu.enqueue_dma source(%arg11 : memref<512xf32, #tpu.memory_space<vmem>>) target(%dma_start3A_19 : memref<512xf32, #tpu.memory_space<hbm>>) target_semaphore(%run_scoped3A : memref<!tpu.dma_semaphore, #tpu.memory_space<semaphore_mem>>)
      %dma_wait3A_20 = tpu.memref_slice %arg6[%mul3A_2] : memref<16384xf32, #tpu.memory_space<hbm>> -> memref<512xf32, #tpu.memory_space<hbm>>
      %dma_wait3A_21 = tpu.memref_slice %arg6[%mul3A_2] : memref<16384xf32, #tpu.memory_space<hbm>> -> memref<512xf32, #tpu.memory_space<hbm>>
      tpu.wait_dma2 semaphore(%run_scoped3A : memref<!tpu.dma_semaphore, #tpu.memory_space<semaphore_mem>>) src(%arg11 : memref<512xf32, #tpu.memory_space<vmem>>) dst(%dma_wait3A_21 : memref<512xf32, #tpu.memory_space<hbm>>)
      tpu.yield
    }) : () -> ()
    return
  }
}

</mosaic_0001>

<sc_bundles>
// kernel: kernel.4.cloned.1.call-start
scs
__scs_entry_jumppad:
0x0: {  	(pc) =	sbr.rel $0x88, $3  }
0x1: {  	(tag) =	ssettag $0x0;
	lr =	simm.s32 $0x1  }
0x2: {  	[smem:$0x3F9C] =	sst lr;
	_ =	strace $0xD0000000  }
0x3: {  	_ = 	snop  }
0x4: {  	_ = 	snop  }
0x5: {  	_ = 	snop  }
0x6: {  	_ = 	snop  }
0x7: {  	_ = 	snop  }
__scs_overlays_trampoline_lowered:
0x8: {  	[smem:$0x3FAB] =	sst s0  }
0x9: {  	[smem:$0x3FAC] =	sst s1  }
0xa: {  	[smem:$0x3FAD] =	sst s2  }
0xb: {  	[smem:$0x3FAE] =	sst s3  }
0xc: {  	[smem:$0x3FAF] =	sst s4  }
0xd: {  	[smem:$0x3FB0] =	sst s5  }
0xe: {  	[smem:$0x3FB1] =	sst s6  }
0xf: {  	[smem:$0x3FB2] =	sst s7  }
0x10: {  	[smem:$0x3FB3] =	sst s8  }
0x11: {  	[smem:$0x3FB4] =	sst s9;
	s0 =	simm.s32 @!p0 $0x0  }
0x12: {  	s1 =	sld [smem:$0x3F9A];
	s0 =	simm.s32 @p0 $0x1  }
0x13: {  	[smem:$0x3FB5] =	sst s0;
	s0 =	simm.s32 @!p1 $0x0  }
0x14: {  	s2 =	sld [smem:$0x3F99];
	s0 =	simm.s32 @p1 $0x1  }
0x15: {  	[smem:$0x3FB6] =	sst s0;
	s0 =	simm.s32 @!p2 $0x0  }
0x16: {  	s3 =	sld [smem:$0x3FDB];
	s0 =	simm.s32 @p2 $0x1  }
0x17: {  	s4 =	simm.s32 $0x1BF5;
	[smem:$0x3FB8] =	sst s0  }
0x18: {  	s0 =	sld [smem:$0x3F9B];
	_ =	swait.ge [sflag:s4], $0x0  }
0x19: {  	s7 =	sld [smem:$0x3F9C]  }
0x1a: {  	s8 =	sadd.s32 $0xFFFFE003, lr  }
0x1b: {  	s9 =	sadd.s32 $0xFFFFFEF7, lr;
	s5 =	simm.s32 $0xFFFFFFFF;
	p2 =	slt.u32 s8, $0xFFFFF086  }
0x1c: {  	p1 =	slt.u32 s9, $0xF7A;
	s5 =	simm.s32 @!p2 $0x0  }
0x1d: {  	s5 =	simm.s32 @p1 $0x1;
	p0 =	seq.s32 s7, s2  }
0x1e: {  	s7 =	smul.u32 @!p0 $0xF7A, s2;
	p2 =	seq.s32 @!p0 s5, $0x0  }
0x1f: {  	s9 =	smul.u32 $0xF7A, s1;
	s8 =	simm.s32 @!p0 $0x1BF5;
	p2 =	por !p2, p0  }
0x20: {  	[sflag:s8] =	ssyncset.s32 @!p0 $0xFFFFF086;
	s6 =	sadd.s32 @!p0 s3, s7;
	s7 =	simm.s32 @!p0 $0x108  }
0x21: {  	s3 =	sadd.s32 s3, s9;
	s6 =	sadd.s32 @!p0 $0x88, s6;
	s7 =	simm.s32 @p2 $0x1082  }
0x22: {  	[simem:s7], [sflag:s8] =	dma.local @!p0 [hbm:s6], $0xF7A  }
0x23: {  	s9 =	sor.u32 $0xD0000000, s2;
	s6 =	simm.s32 $0x108;
	_ =	swait.ge @!p0 [sflag:s8], $0x0  }
0x24: {  	s3 =	sadd.s32 $0x88, s3;
	s6 =	simm.s32 @!p1 $0x1082;
	[sflag:s4] =	ssyncset.s32 $0xFFFFF086  }
0x25: {  	[simem:s6], [sflag:s4] =	dma.local [hbm:s3], $0xF7A  }
0x26: {  	[smem:$0x3F9C] =	sst s1;
	(tag) =	ssettag s2;
	_ =	strace s9  }
0x27: {  	s1 =	sld [smem:$0x3FAC]  }
0x28: {  	s2 =	sld [smem:$0x3FAD]  }
0x29: {  	s4 =	sld [smem:$0x3FAF]  }
0x2a: {  	p0 =	seq.s32 s5, $0x0;
	s5 =	sld [smem:$0x3FB0]  }
0x2b: {  	s6 =	sld [smem:$0x3FB1]  }
0x2c: {  	s7 =	sld [smem:$0x3FB2]  }
0x2d: {  	s3 =	simm.s32 $0x108;
	s8 =	sld [smem:$0x3FB3]  }
0x2e: {  	s3 =	simm.s32 @!p0 $0x1082;
	s9 =	sld [smem:$0x3FB4]  }
0x2f: {  	lr =	sadd.s32 s0, s3;
	s0 =	sld [smem:$0x3FAB]  }
0x30: {  	s3 =	sld [smem:$0x3FAE]  }
0x31: {  	[smem:$0x3FB7] =	sst s10  }
0x32: {  	s10 =	sld [smem:$0x3FB5];
	_ =	sdelay $0x3  }
0x33: {  	p0 =	seq.s32 s10, $0x1;
	s10 =	sld [smem:$0x3FB7];
	_ =	sdelay $0x3  }
0x34: {  	[smem:$0x3FB7] =	sst s10  }
0x35: {  	s10 =	sld [smem:$0x3FB6];
	_ =	sdelay $0x3  }
0x36: {  	p1 =	seq.s32 s10, $0x1;
	s10 =	sld [smem:$0x3FB7];
	_ =	sdelay $0x3  }
0x37: {  	[smem:$0x3FB7] =	sst s10  }
0x38: {  	s10 =	sld [smem:$0x3FB8]  }
0x39: {  	_ = 	snop;
	(pc) =	sbr.ind lr, $3  }
0x3a: {  	_ = 	snop  }
0x3b: {  	_ = 	snop  }
0x3c: {  	p2 =	seq.s32 s10, $0x1;
	s10 =	sld [smem:$0x3FB7]  }
0x3d: {  	_ =	shalt  }
0x3e: {  	_ =	shalt  }
0x3f: {  	_ =	shalt  }
0x40: {  	_ =	shalt  }
0x41: {  	_ =	shalt  }
0x42: {  	_ =	shalt  }
0x43: {  	_ =	shalt  }
0x44: {  	_ =	shalt  }
0x45: {  	_ =	shalt  }
0x46: {  	_ =	shalt  }
0x47: {  	_ =	shalt  }
0x48: {  	_ =	shalt  }
0x49: {  	_ =	shalt  }
0x4a: {  	_ =	shalt  }
0x4b: {  	_ =	shalt  }
0x4c: {  	_ =	shalt  }
0x4d: {  	_ =	shalt  }
0x4e: {  	_ =	shalt  }
0x4f: {  	_ =	shalt  }
0x50: {  	_ =	shalt  }
0x51: {  	_ =	shalt  }
0x52: {  	_ =	shalt  }
0x53: {  	_ =	shalt  }
0x54: {  	_ =	shalt  }
0x55: {  	_ =	shalt  }
0x56: {  	_ =	shalt  }
0x57: {  	_ =	shalt  }
0x58: {  	_ =	shalt  }
0x59: {  	_ =	shalt  }
0x5a: {  	_ =	shalt  }
0x5b: {  	_ =	shalt  }
0x5c: {  	_ =	shalt  }
0x5d: {  	_ =	shalt  }
0x5e: {  	_ =	shalt  }
0x5f: {  	_ =	shalt  }
0x60: {  	_ =	shalt  }
0x61: {  	_ =	shalt  }
0x62: {  	_ =	shalt  }
0x63: {  	_ =	shalt  }
0x64: {  	_ =	shalt  }
0x65: {  	_ =	shalt  }
0x66: {  	_ =	shalt  }
0x67: {  	_ =	shalt  }
0x68: {  	_ =	shalt  }
0x69: {  	_ =	shalt  }
0x6a: {  	_ =	shalt  }
0x6b: {  	_ =	shalt  }
0x6c: {  	_ =	shalt  }
0x6d: {  	_ =	shalt  }
0x6e: {  	_ =	shalt  }
0x6f: {  	_ =	shalt  }
0x70: {  	_ =	shalt  }
0x71: {  	_ =	shalt  }
0x72: {  	_ =	shalt  }
0x73: {  	_ =	shalt  }
0x74: {  	_ =	shalt  }
0x75: {  	_ =	shalt  }
0x76: {  	_ =	shalt  }
0x77: {  	_ =	shalt  }
0x78: {  	_ =	shalt  }
0x79: {  	_ =	shalt  }
0x7a: {  	_ =	shalt  }
0x7b: {  	_ =	shalt  }
0x7c: {  	_ =	shalt  }
0x7d: {  	_ =	shalt  }
0x7e: {  	_ =	shalt  }
0x7f: {  	_ =	shalt  }
0x80: {  	_ =	shalt  }
0x81: {  	_ =	shalt  }
0x82: {  	_ =	shalt  }
0x83: {  	_ =	shalt  }
0x84: {  	_ =	shalt  }
0x85: {  	_ =	shalt  }
0x86: {  	_ =	shalt  }
0x87: {  	_ =	shalt  }
.Lfunc_end0:
.L_simem_size_0:
called_computation_lowered:
.L_overlay_start_0:
0x88: {  	s2 =	sld [smem:$0x3FD9]  }
0x89: {  	s3 =	sld [smem:$0x3FFE];
	_ =	sdelay $0x1  }
0x8a: {  	s1 =	srdreg.scid  }
0x8b: {  	s0 =	sand.u32 $0x1, s1  }
0x8c: {  	s17 =	sshll.u32 s0, $0xA;
	s2 =	sadd.s32 s3, s2  }
0x8d: {  	s2 =	sadd.s32 s2, s17  }
0x8e: {  	[smem:$0x3FC3] =	sst s2  }
0x8f: {  	_ = 	snop  }
0x90: {  	s2 =	sld [smem:$0x3FC9]  }
0x91: {  	s18 =	sld [smem:$0x3FC8]  }
0x92: {  	s4 =	sld [smem:$0x3FC7];
	(tm) =	ssettm $0x1  }
0x93: {  	s5 =	sld [smem:$0x3FFB];
	_ =	sdelay $0x3  }
0x94: {  	_ =	strace s5  }
0x95: {  	s5 =	sld [smem:$0x3FFC];
	_ =	sdelay $0x3  }
0x96: {  	_ =	strace s5  }
0x97: {  	s5 =	sld [smem:$0x3FFD];
	_ =	sdelay $0x3  }
0x98: {  	_ =	strace s5  }
0x99: {  	_ =	strace $0x8FFFFFFF  }
0x9a: {  	s19 =	sld [smem:$0x3FDB];
	_ =	sdelay $0x1  }
0x9b: {  	s6 =	simm.s32 $_scs_section_size  }
0x9c: {  	s7 =	simm.s32 $_size__tile_overlayer_lowered;
	s8 =	simm.s32 $_tile_overlayer_lowered  }
0x9d: {  	s22 =	simm.s32 $0x1BFF;
	s21 =	sshll.u32 s8, $0x1;
	s5 =	sadd.s32 s6, s19  }
0x9e: {  	s9 =	simm.s32 $0x0;
	s20 =	sshll.u32 s7, $0x1;
	s7 =	sadd.s32 s21, s5  }
0x9f: {  	[timem:s9], [sflag:s22] =	dma.local [hbm:s7], s20  }
0xa0: {  	_ =	swait.ge [sflag:s22], s20  }
0xa1: {  	s6 =	ssub.s32 $0x0, s20;
	[sflag:s22] =	ssyncset.done $0x0  }
0xa2: {  	[sflag:s22] =	ssyncadd.s32 s6;
	_ =	sdelay $0x1  }
0xa3: {  	s23 =	simm.s32 $0x1B8B  }
0xa4: {  	_ =	swait.ge [sflag:s23], $0x1  }
0xa5: {  	[sflag:s23] =	ssyncset.done $0x0  }
0xa6: {  	s25 =	simm.s32 $0x1B8E;
	s24 =	sld [smem:$0x3FFE];
	[sflag:s23] =	ssyncadd.s32 $0xFFFFFFFF  }
0xa7: {  	s26 =	simm.s32 $execute0_lowered;
	[smem:$0x3FD2] =	sst s25  }
0xa8: {  	s7 =	sshll.u32 s26, $0x1;
	_ =	strace $0x80000046;
	[dreg:$0x1] =	wrdreg $0xFFFFFFFF  }
0xa9: {  	s28 =	simm.s32 $_size_execute0_lowered;
	s5 =	sadd.s32 s5, s7;
	[dreg:$0x0] =	wrdreg $0x0  }
0xaa: {  	s7 =	sshll.u32 s28, $0x1;
	[dreg:$0x2] =	wrdreg s5  }
0xab: {  	[dreg:$0x3] =	wrdreg s7  }
0xac: {  	[dreg:$0x4] =	wrdreg $0xC0  }
0xad: {  	_ =	task [dreg:s9], $0x5FFFF  }
0xae: {  	[dreg:$0x1] =	wrdreg $0xFFFFFFFF  }
0xaf: {  	[dreg:$0x0] =	wrdreg $0x60  }
0xb0: {  	[dreg:$0x2] =	wrdreg s2  }
0xb1: {  	[dreg:$0x3] =	wrdreg s18  }
0xb2: {  	[dreg:$0x4] =	wrdreg s4  }
0xb3: {  	[dreg:$0x5] =	wrdreg s24  }
0xb4: {  	[dreg:$0x6] =	wrdreg $0x9  }
0xb5: {  	_ =	task.clear_ibuf [dreg:s9], $0x7FFFF;
	_ =	strace $0x90000046  }
0xb6: {  	s29 =	simm.s32 $0x9;
	_ =	strace $0x80000048  }
0xb7: {  	_ =	swait.ge [sflag:s29], $0x1  }
0xb8: {  	[sflag:s29] =	ssyncadd.s32 $0xFFFFFFFF  }
0xb9: {  	_ =	strace $0x90000048  }
0xba: {  	_ =	sfence  }
0xbb: {  	s30 =	sld [smem:$0x0];
	_ =	sdelay $0x2  }
0xbc: {  	s31 =	sshll.u32 s1, $0xD;
	s1 =	sshrl.u32 s1, $0x2  }
0xbd: {  	s3 =	sand.u32 $0x4000, s31;
	s1 =	sadd.s32 s1, s30  }
0xbe: {  	s0 =	sor.u32 s3, s0;
	s1 =	sshll.u32 s1, $0x11  }
0xbf: {  	s0 =	sor.u32 s1, s0  }
0xc0: {  	s0 =	sadd.s32 $0x8F2B, s0  }
0xc1: {  	[sflag:s0] =	ssyncadd.remote.s32 $0x1  }
0xc2: {  	_ =	sfence.sel $0xFFFF  }
0xc3: {  	[dreg:$0x0] =	wrdreg $0xFFFFFFFF;
	(pc) =	sbr.abs _section_cstart, $3  }
0xc4: {  	[dreg:$0x1] =	wrdreg $0xFFFFFFFF  }
0xc5: {  	_ =	task.clear_ibuf [dreg:s9], $0x2FFFF;
	_ =	strace $0x9FFFFFFF  }
0xc6: {  	(tm) =	ssettm $0x7FFFFFFF  }
0xc7: {  	_ =	shalt  }
tec
execute0_lowered:
.L_overlay_start_1:
0x0: {  	(tag) =	ssettag $0x1  }
0x1: {  	s5 =	rddreg [dreg:$0x0]  }
0x2: {  	s6 =	rddreg [dreg:$0x1]  }
0x3: {  	s1 =	rddreg [dreg:$0x2]  }
0x4: {  	s7 =	rddreg [dreg:$0x3]  }
0x5: {  	s0 =	rddreg [dreg:$0x4];
	s3 =	simm.s32 $0x0;
	s4 =	srdreg.scid  }
0x6: {  	s2 =	stileid.u32;
	s11 =	simm.s32 $0x8600;
	s12 =	simm.s32 $0x2000  }
0x7: {  	s13 =	simm.s32 $0x400;
	s14 =	simm.s32 $0x4400;
	s15 =	simm.s32 $0x2400  }
0x8: {  	s16 =	simm.s32 $0x6400;
	s17 =	simm.s32 $0x1;
	s18 =	simm.s32 $0x8400  }
0x9: {  	s19 =	simm.s32 $0x0;
	[smem:$0x7FF] =	sst s3;
	s4 =	sand.u32 $0x1, s4  }
0xa: {  	s8 =	sshll.u32 s2, $0x7;
	s9 =	sshll.u32 s4, $0x6;
	s10 =	ssub.s32 $0x2, s4  }
0xb: {  	_ =	strace $0x80000047;
	s8 =	sor.u32 s9, s8;
	s31 =	sshrl.u32 s10, $0x1  }
0xc: {  	s4 =	sadd.s32 $0x600, s7;
	s7 =	sadd.s32 s8, s7;
	s9 =	ssub.s32 s10, s31  }
0xd: {  	s5 =	sadd.s32 s5, s8;
	s6 =	sadd.s32 s6, s8;
	s10 =	simm.s32 $0x200  }
0xe: {  	s7 =	sadd.s32 $0x800, s7;
	s8 =	smax.u32 s9, $0x1;
	s9 =	simm.s32 $0x2  }
.LBB2_1:
0xf: {  	[tilespmem:s3], [sflag:$0x2] =	stream.linear.gather [hbm4b:s5+s3], $0x200, $0x38;
	[tilespmem:$0x8610] =	vst v63  }
0x10: {  	_ =	swait.ge [sflag:s9], $0x200  }
0x11: {  	[sflag:s9] =	ssyncset.done $0x0  }
0x12: {  	[sflag:s9] =	ssyncadd.s32 $0xFFFFFE00  }
0x13: {  	[tilespmem:s10], [sflag:$0x2] =	stream.linear.gather [hbm4b:s6+s3], $0x200, $0x38;
	[tilespmem:$0x8610] =	vst v63  }
0x14: {  	_ =	swait.ge [sflag:s9], $0x200  }
0x15: {  	[sflag:s9] =	ssyncset.done $0x0  }
0x16: {  	[sflag:s9] =	ssyncadd.s32 $0xFFFFFE00  }
0x17: {  	[tilespmem:s11], [sflag:$0x2] =	stream.linear.gather [hbm4b:s4+s3], $0x10, $0x38;
	[tilespmem:$0x8610] =	vst v63  }
0x18: {  	_ =	swait.ge [sflag:s9], $0x10  }
0x19: {  	[sflag:s9] =	ssyncset.done $0x0  }
0x1a: {  	s20 =	simm.s32 $0x0;
	[sflag:s9] =	ssyncadd.s32 $0xFFFFFFF0  }
0x1b: {  	v0 =	vld [tilespmem:s20+$0x200]  }
0x1c: {  	v1 =	vld [tilespmem:s20+$0x0];
	_ =	sdelay $0x4  }
0x1d: {  	v0 =	vadd.s32 $0xF4240, v0;
	v3 =	vshll.u32 v1, $0x3  }
0x1e: {  	v1 =	vand.u32 $0x7F, v1;
	v2 =	vshll.u32 v0, $0x3;
	v3 =	vand.u32 $0xFFFFFC00, v3  }
0x1f: {  	v0 =	vand.u32 $0x7F, v0;
	v2 =	vand.u32 $0xFFFFFC00, v2;
	v1 =	vor.u32 v1, v3  }
0x20: {  	v5 =	vor.u32 v0, v2;
	[tilespmem:s20+$0x400] =	vst v1  }
0x21: {  	v2 =	vadd.s32 $0xF42780, v1;
	[tilespmem:s20+$0x2400] =	vst v5  }
0x22: {  	v3 =	vadd.s32 $0xF42500, v1;
	[tilespmem:s20+$0x2200] =	vst v2  }
0x23: {  	v4 =	vadd.s32 $0xF42480, v1;
	[tilespmem:s20+$0x1800] =	vst v3  }
0x24: {  	v0 =	vadd.s32 $0xF42780, v5;
	[tilespmem:s20+$0x1600] =	vst v4  }
0x25: {  	v2 =	vadd.s32 $0xF42680, v5;
	[tilespmem:s20+$0x4200] =	vst v0  }
0x26: {  	v7 =	vor.u32 $0x80, v5;
	[tilespmem:s20+$0x3E00] =	vst v2  }
0x27: {  	v10 =	vor.u32 $0x100, v5;
	[tilespmem:s20+$0x2600] =	vst v7  }
0x28: {  	v0 =	vadd.s32 $0xF42700, v1;
	[tilespmem:s20+$0x2800] =	vst v10  }
0x29: {  	v2 =	vadd.s32 $0xF42600, v5;
	[tilespmem:s20+$0x2000] =	vst v0  }
0x2a: {  	v0 =	vadd.s32 $0xF42680, v1;
	[tilespmem:s20+$0x3C00] =	vst v2  }
0x2b: {  	v2 =	vadd.s32 $0xF42700, v5;
	[tilespmem:s20+$0x1E00] =	vst v0  }
0x2c: {  	v0 =	vor.u32 $0x380, v1;
	[tilespmem:s20+$0x4000] =	vst v2  }
0x2d: {  	v2 =	vor.u32 $0x280, v1;
	[tilespmem:s20+$0x1200] =	vst v0  }
0x2e: {  	v0 =	vor.u32 $0x300, v1;
	[tilespmem:s20+$0xE00] =	vst v2  }
0x2f: {  	v2 =	vor.u32 $0x180, v1;
	[tilespmem:s20+$0x1000] =	vst v0  }
0x30: {  	v0 =	vor.u32 $0x200, v1;
	[tilespmem:s20+$0xA00] =	vst v2  }
0x31: {  	v3 =	vor.u32 $0x280, v5;
	v2 =	vor.u32 $0x80, v1;
	[tilespmem:s20+$0xC00] =	vst v0  }
0x32: {  	v6 =	vadd.s32 $0xF42400, v5;
	v8 =	vadd.s32 $0xF42480, v5;
	v0 =	vor.u32 $0x100, v1;
	[tilespmem:s20+$0x600] =	vst v2  }
0x33: {  	v4 =	vor.u32 $0x300, v5;
	v9 =	vadd.s32 $0xF42500, v5;
	v2 =	vadd.s32 $0xF42580, v1;
	[tilespmem:s20+$0x800] =	vst v0  }
0x34: {  	v7 =	vor.u32 $0x380, v5;
	v0 =	vadd.s32 $0xF42600, v1;
	[tilespmem:s20+$0x1A00] =	vst v2;
	v2 =	vor.u32 $0x200, v5  }
0x35: {  	s21 =	simm.s32 $0x40;
	[tilespmem:s20+$0x1C00] =	vst v0;
	v0 =	vadd.s32 $0xF42400, v1;
	v1 =	vor.u32 $0x180, v5;
	v5 =	vadd.s32 $0xF42580, v5  }
.LBB2_2:
0x36: {  	s22 =	sshra.s32 s21, $0x2;
	p0 =	sne.s32 s21, $0x7C0;
	s21 =	sadd.s32 $0x40, s21;
	[tilespmem:s20+$0x2A00] =	vst v1  }
0x37: {  	v1 =	vld [tilespmem:s22+$0x200];
	[tilespmem:s20+$0x2C00] =	vst v2  }
0x38: {  	v2 =	vld [tilespmem:s22+$0x0];
	[tilespmem:s20+$0x2E00] =	vst v3  }
0x39: {  	[tilespmem:s20+$0x3000] =	vst v4  }
0x3a: {  	[tilespmem:s20+$0x3200] =	vst v7  }
0x3b: {  	[tilespmem:s20+$0x3400] =	vst v6  }
0x3c: {  	v1 =	vadd.s32 $0xF4240, v1;
	[tilespmem:s20+$0x3600] =	vst v8  }
0x3d: {  	v3 =	vshll.u32 v2, $0x3;
	v2 =	vand.u32 $0x7F, v2;
	v4 =	vshll.u32 v1, $0x3;
	[tilespmem:s20+$0x3800] =	vst v9  }
0x3e: {  	v1 =	vand.u32 $0x7F, v1;
	v3 =	vand.u32 $0xFFFFFC00, v3;
	v4 =	vand.u32 $0xFFFFFC00, v4;
	[tilespmem:s20+$0x1400] =	vst v0  }
0x3f: {  	v9 =	vor.u32 v2, v3;
	v10 =	vor.u32 v1, v4;
	[tilespmem:s20+$0x3A00] =	vst v5;
	s20 =	smov.u32 s22  }
0x40: {  	[tilespmem:s20+$0x2400] =	vst v10;
	v11 =	vor.u32 $0x80, v10;
	v0 =	vadd.s32 $0xF42400, v9;
	v2 =	vadd.s32 $0xF42780, v10  }
0x41: {  	v12 =	vor.u32 $0x100, v10;
	v13 =	vadd.s32 $0xF42480, v9;
	v3 =	vadd.s32 $0xF42780, v9;
	[tilespmem:s20+$0x400] =	vst v9  }
0x42: {  	v1 =	vor.u32 $0x180, v10;
	v14 =	vadd.s32 $0xF42500, v9;
	v5 =	vadd.s32 $0xF42700, v10;
	[tilespmem:s20+$0x4200] =	vst v2  }
0x43: {  	v15 =	vadd.s32 $0xF42580, v9;
	v4 =	vadd.s32 $0xF42700, v9;
	v2 =	vor.u32 $0x200, v10;
	[tilespmem:s20+$0x2200] =	vst v3  }
0x44: {  	v16 =	vadd.s32 $0xF42600, v9;
	v6 =	vadd.s32 $0xF42680, v10;
	v3 =	vor.u32 $0x280, v10;
	[tilespmem:s20+$0x2000] =	vst v4  }
0x45: {  	v17 =	vor.u32 $0x80, v9;
	v8 =	vadd.s32 $0xF42680, v9;
	v4 =	vor.u32 $0x300, v10;
	[tilespmem:s20+$0x3E00] =	vst v6  }
0x46: {  	v18 =	vor.u32 $0x100, v9;
	v7 =	vor.u32 $0x380, v10;
	v19 =	vadd.s32 $0xF42600, v10;
	[tilespmem:s20+$0x1E00] =	vst v8  }
0x47: {  	v20 =	vor.u32 $0x180, v9;
	v6 =	vadd.s32 $0xF42400, v10;
	v8 =	vor.u32 $0x380, v9;
	[tilespmem:s20+$0x3C00] =	vst v19  }
0x48: {  	v21 =	vor.u32 $0x300, v9;
	v19 =	vor.u32 $0x200, v9;
	[tilespmem:s20+$0x1200] =	vst v8;
	v8 =	vadd.s32 $0xF42480, v10  }
0x49: {  	v22 =	vor.u32 $0x280, v9;
	v9 =	vadd.s32 $0xF42500, v10;
	[tilespmem:s20+$0x4000] =	vst v5  }
0x4a: {  	v5 =	vadd.s32 $0xF42580, v10;
	[tilespmem:s20+$0x1000] =	vst v21  }
0x4b: {  	[tilespmem:s20+$0xE00] =	vst v22  }
0x4c: {  	[tilespmem:s20+$0xC00] =	vst v19  }
0x4d: {  	[tilespmem:s20+$0xA00] =	vst v20  }
0x4e: {  	[tilespmem:s20+$0x800] =	vst v18  }
0x4f: {  	[tilespmem:s20+$0x600] =	vst v17  }
0x50: {  	[tilespmem:s20+$0x1C00] =	vst v16  }
.Ltmp0:
0x51: {  	[tilespmem:s20+$0x1A00] =	vst v15;
	(pc) =	sbr.rel @p0 .LBB2_2-.Ltmp0, $4  }
0x52: {  	[tilespmem:s20+$0x1800] =	vst v14  }
0x53: {  	[tilespmem:s20+$0x1600] =	vst v13  }
0x54: {  	[tilespmem:s20+$0x2600] =	vst v11  }
0x55: {  	[tilespmem:s20+$0x2800] =	vst v12  }
0x56: {  	[tilespmem:s20+$0x2A00] =	vst v1  }
0x57: {  	[tilespmem:s20+$0x2C00] =	vst v2  }
0x58: {  	[tilespmem:s20+$0x2E00] =	vst v3  }
0x59: {  	[tilespmem:s20+$0x3000] =	vst v4  }
0x5a: {  	[tilespmem:s20+$0x3200] =	vst v7  }
0x5b: {  	[tilespmem:s20+$0x3400] =	vst v6  }
0x5c: {  	[tilespmem:s20+$0x3600] =	vst v8  }
0x5d: {  	[tilespmem:s20+$0x3800] =	vst v9  }
0x5e: {  	[tilespmem:s20+$0x1400] =	vst v0  }
0x5f: {  	[tilespmem:s20+$0x3A00] =	vst v5  }
0x60: {  	[tilespmem:s14], [sflag:$0x1] =	stream.indirect.gather [hbm4b:s1+s12], $0x1, s13, s12, $0xb8;
	[tilespmem:$0x8610] =	vst v63  }
0x61: {  	_ = 	snop  }
0x62: {  	[tilespmem:s16], [sflag:$0x1] =	stream.indirect.gather [hbm4b:s1+s12], $0x1, s15, s12, $0xb8;
	[tilespmem:$0x8610] =	vst v63  }
0x63: {  	_ =	swait.ge [sflag:s17], $0x2000  }
0x64: {  	[sflag:s17] =	ssyncset.done $0x0  }
0x65: {  	[sflag:s17] =	ssyncadd.s32 $0xFFFFE000  }
0x66: {  	_ =	swait.ge [sflag:s17], $0x2000  }
0x67: {  	[sflag:s17] =	ssyncset.done $0x0  }
0x68: {  	[sflag:s17] =	ssyncadd.s32 $0xFFFFE000  }
0x69: {  	s20 =	simm.s32 $0x0;
	v0 =	vld [tilespmem:$0x8600]  }
0x6a: {  	v1 =	vld [tilespmem:s20+$0x4400]  }
0x6b: {  	v2 =	vld [tilespmem:s20+$0x6400]  }
0x6c: {  	v3 =	vld [tilespmem:s20+$0x4600]  }
0x6d: {  	v4 =	vld [tilespmem:s20+$0x6600]  }
0x6e: {  	v5 =	vld [tilespmem:s20+$0x4800]  }
0x6f: {  	v6 =	vld [tilespmem:s20+$0x6800]  }
0x70: {  	v7 =	vld [tilespmem:s20+$0x6A00];
	v1 =	vmul.f32 v2, v1  }
0x71: {  	v2 =	vld [tilespmem:s20+$0x4A00]  }
0x72: {  	v8 =	vld [tilespmem:s20+$0x6C00];
	v3 =	vmul.f32 v4, v3;
	v1 =	vadd.f32 v1, v0  }
0x73: {  	v4 =	vld [tilespmem:s20+$0x4C00]  }
0x74: {  	v1 =	vadd.f32 v3, v1;
	v3 =	vmul.f32 v6, v5;
	v5 =	vld [tilespmem:s20+$0x4E00]  }
0x75: {  	v6 =	vld [tilespmem:s20+$0x6E00]  }
0x76: {  	v2 =	vmul.f32 v7, v2;
	v7 =	vld [tilespmem:s20+$0x7000];
	v1 =	vadd.f32 v3, v1  }
0x77: {  	v3 =	vld [tilespmem:s20+$0x5000]  }
0x78: {  	v1 =	vadd.f32 v2, v1;
	v2 =	vmul.f32 v8, v4;
	v4 =	vld [tilespmem:s20+$0x5200]  }
0x79: {  	v8 =	vld [tilespmem:s20+$0x7200]  }
0x7a: {  	v1 =	vadd.f32 v2, v1;
	v2 =	vmul.f32 v6, v5;
	v5 =	vld [tilespmem:s20+$0x5400]  }
0x7b: {  	v6 =	vld [tilespmem:s20+$0x7400]  }
0x7c: {  	v1 =	vadd.f32 v2, v1;
	v2 =	vmul.f32 v7, v3;
	v3 =	vld [tilespmem:s20+$0x5600]  }
0x7d: {  	v7 =	vld [tilespmem:s20+$0x7600]  }
0x7e: {  	v1 =	vadd.f32 v2, v1;
	v2 =	vmul.f32 v8, v4;
	v4 =	vld [tilespmem:s20+$0x5800]  }
0x7f: {  	v8 =	vld [tilespmem:s20+$0x7800]  }
0x80: {  	v1 =	vadd.f32 v2, v1;
	v2 =	vmul.f32 v6, v5;
	v5 =	vld [tilespmem:s20+$0x5A00]  }
0x81: {  	v6 =	vld [tilespmem:s20+$0x7A00]  }
0x82: {  	v1 =	vadd.f32 v2, v1;
	v2 =	vmul.f32 v7, v3;
	v3 =	vld [tilespmem:s20+$0x5C00]  }
0x83: {  	v7 =	vld [tilespmem:s20+$0x7C00]  }
0x84: {  	v63 =	vld [tilespmem:s20+$0x7E00];
	v1 =	vadd.f32 v2, v1;
	v2 =	vmul.f32 v8, v4  }
0x85: {  	v8 =	vld [tilespmem:s20+$0x5E00]  }
0x86: {  	v4 =	vld [tilespmem:s20+$0x8000];
	v5 =	vmul.f32 v6, v5;
	v2 =	vadd.f32 v2, v1  }
0x87: {  	v1 =	vld [tilespmem:s20+$0x6000]  }
0x88: {  	v7 =	vmul.f32 v7, v3;
	v6 =	vadd.f32 v5, v2;
	v2 =	vld [tilespmem:s20+$0x6200]  }
0x89: {  	s21 =	simm.s32 $0x10;
	v5 =	vld [tilespmem:s20+$0x8200]  }
0x8a: {  	s22 =	simm.s32 $0x80;
	v3 =	vld [tilespmem:s21+$0x4400];
	v6 =	vadd.f32 v7, v6;
	v7 =	vmul.f32 v63, v8  }
.LBB2_4:
0x8b: {  	p0 =	sne.s32 s22, $0x7C0;
	v8 =	vld [tilespmem:s21+$0x6400]  }
0x8c: {  	v9 =	vld [tilespmem:s21+$0x4600];
	v6 =	vadd.f32 v7, v6;
	v1 =	vmul.f32 v4, v1  }
0x8d: {  	v4 =	vld [tilespmem:s21+$0x6600]  }
0x8e: {  	v7 =	vld [tilespmem:s21+$0x4800];
	v1 =	vadd.f32 v1, v6;
	v2 =	vmul.f32 v5, v2  }
0x8f: {  	v5 =	vld [tilespmem:s21+$0x6800]  }
0x90: {  	v3 =	vmul.f32 v8, v3;
	v6 =	vld [tilespmem:s21+$0x4A00];
	v1 =	vadd.f32 v2, v1  }
0x91: {  	v2 =	vld [tilespmem:s21+$0x6A00]  }
0x92: {  	v3 =	vadd.f32 v3, v0;
	v4 =	vmul.f32 v4, v9;
	v8 =	vld [tilespmem:s21+$0x4C00];
	[tilespmem:s20+$0x8400] =	vst v1;
	s20 =	smov.u32 s21  }
0x93: {  	v1 =	vld [tilespmem:s20+$0x6C00]  }
0x94: {  	v3 =	vadd.f32 v4, v3;
	v4 =	vmul.f32 v5, v7;
	v5 =	vld [tilespmem:s20+$0x4E00]  }
0x95: {  	v7 =	vld [tilespmem:s20+$0x6E00]  }
0x96: {  	v3 =	vadd.f32 v4, v3;
	v2 =	vmul.f32 v2, v6;
	v4 =	vld [tilespmem:s20+$0x5000]  }
0x97: {  	v6 =	vld [tilespmem:s20+$0x7000]  }
0x98: {  	v2 =	vadd.f32 v2, v3;
	v1 =	vmul.f32 v1, v8;
	v3 =	vld [tilespmem:s20+$0x5200]  }
0x99: {  	v8 =	vld [tilespmem:s20+$0x7200]  }
0x9a: {  	v1 =	vadd.f32 v1, v2;
	v2 =	vmul.f32 v7, v5;
	v5 =	vld [tilespmem:s20+$0x5400]  }
0x9b: {  	v7 =	vld [tilespmem:s20+$0x7400]  }
0x9c: {  	v1 =	vadd.f32 v2, v1;
	v2 =	vmul.f32 v6, v4;
	v4 =	vld [tilespmem:s20+$0x5600]  }
0x9d: {  	v6 =	vld [tilespmem:s20+$0x7600]  }
0x9e: {  	v1 =	vadd.f32 v2, v1;
	v2 =	vmul.f32 v8, v3;
	v3 =	vld [tilespmem:s20+$0x5800]  }
0x9f: {  	v8 =	vld [tilespmem:s20+$0x7800]  }
0xa0: {  	v1 =	vadd.f32 v2, v1;
	v2 =	vmul.f32 v7, v5;
	v5 =	vld [tilespmem:s20+$0x5A00]  }
0xa1: {  	v7 =	vld [tilespmem:s20+$0x7A00]  }
0xa2: {  	v1 =	vadd.f32 v2, v1;
	v2 =	vmul.f32 v6, v4;
	v6 =	vld [tilespmem:s20+$0x5C00]  }
0xa3: {  	v9 =	vld [tilespmem:s20+$0x7C00]  }
0xa4: {  	v1 =	vadd.f32 v2, v1;
	v2 =	vmul.f32 v8, v3;
	v8 =	vld [tilespmem:s20+$0x5E00]  }
0xa5: {  	v10 =	vld [tilespmem:s20+$0x7E00]  }
.Ltmp1:
0xa6: {  	v2 =	vadd.f32 v2, v1;
	v3 =	vmul.f32 v7, v5;
	v1 =	vld [tilespmem:s20+$0x6000];
	(pc) =	sbr.rel @p0 .LBB2_4-.Ltmp1, $4  }
0xa7: {  	v4 =	vld [tilespmem:s20+$0x8000]  }
0xa8: {  	v7 =	vadd.f32 v3, v2;
	v6 =	vmul.f32 v9, v6;
	v2 =	vld [tilespmem:s20+$0x6200]  }
0xa9: {  	s21 =	sshra.s32 s22, $0x2;
	v5 =	vld [tilespmem:s20+$0x8200]  }
0xaa: {  	s22 =	sadd.s32 $0x40, s22;
	v3 =	vld [tilespmem:s21+$0x4400];
	v6 =	vadd.f32 v6, v7;
	v7 =	vmul.f32 v10, v8  }
0xab: {  	v8 =	vld [tilespmem:s21+$0x6400]  }
0xac: {  	v9 =	vld [tilespmem:s21+$0x4600];
	v6 =	vadd.f32 v7, v6;
	v1 =	vmul.f32 v4, v1  }
0xad: {  	v23 =	vld [tilespmem:s21+$0x6600]  }
0xae: {  	v24 =	vld [tilespmem:s21+$0x4800];
	v1 =	vadd.f32 v1, v6;
	v2 =	vmul.f32 v5, v2  }
0xaf: {  	v25 =	vld [tilespmem:s21+$0x6800]  }
0xb0: {  	v26 =	vld [tilespmem:s21+$0x4A00];
	v3 =	vmul.f32 v8, v3;
	v1 =	vadd.f32 v2, v1  }
0xb1: {  	v27 =	vld [tilespmem:s21+$0x6A00]  }
0xb2: {  	v28 =	vld [tilespmem:s21+$0x4C00];
	v29 =	vmul.f32 v23, v9;
	v0 =	vadd.f32 v3, v0;
	[tilespmem:s20+$0x8400] =	vst v1  }
0xb3: {  	v1 =	vld [tilespmem:s21+$0x6C00]  }
0xb4: {  	v30 =	vmul.f32 v25, v24;
	v31 =	vld [tilespmem:s21+$0x4E00];
	v0 =	vadd.f32 v29, v0  }
0xb5: {  	v32 =	vld [tilespmem:s21+$0x6E00]  }
0xb6: {  	v2 =	vmul.f32 v27, v26;
	v33 =	vld [tilespmem:s21+$0x5000];
	v0 =	vadd.f32 v30, v0  }
0xb7: {  	v34 =	vld [tilespmem:s21+$0x7000]  }
0xb8: {  	v35 =	vld [tilespmem:s21+$0x5200];
	v0 =	vadd.f32 v2, v0;
	v1 =	vmul.f32 v1, v28  }
0xb9: {  	v36 =	vld [tilespmem:s21+$0x7200]  }
0xba: {  	v38 =	vld [tilespmem:s21+$0x5400];
	v37 =	vmul.f32 v32, v31;
	v0 =	vadd.f32 v1, v0  }
0xbb: {  	v39 =	vld [tilespmem:s21+$0x7400]  }
0xbc: {  	v41 =	vld [tilespmem:s21+$0x5600];
	v40 =	vmul.f32 v34, v33;
	v0 =	vadd.f32 v37, v0  }
0xbd: {  	v42 =	vld [tilespmem:s21+$0x7600]  }
0xbe: {  	v44 =	vld [tilespmem:s21+$0x5800];
	v43 =	vmul.f32 v36, v35;
	v0 =	vadd.f32 v40, v0  }
0xbf: {  	v45 =	vld [tilespmem:s21+$0x7800]  }
0xc0: {  	v47 =	vld [tilespmem:s21+$0x5A00];
	v46 =	vmul.f32 v39, v38;
	v0 =	vadd.f32 v43, v0  }
0xc1: {  	v48 =	vld [tilespmem:s21+$0x7A00]  }
0xc2: {  	v50 =	vld [tilespmem:s21+$0x5C00];
	v49 =	vmul.f32 v42, v41;
	v0 =	vadd.f32 v46, v0  }
0xc3: {  	v51 =	vld [tilespmem:s21+$0x7C00]  }
0xc4: {  	v53 =	vld [tilespmem:s21+$0x5E00];
	v52 =	vmul.f32 v45, v44;
	v0 =	vadd.f32 v49, v0  }
0xc5: {  	v54 =	vld [tilespmem:s21+$0x7E00]  }
0xc6: {  	v56 =	vld [tilespmem:s21+$0x6000];
	v55 =	vmul.f32 v48, v47;
	v0 =	vadd.f32 v52, v0  }
0xc7: {  	v57 =	vld [tilespmem:s21+$0x8000]  }
0xc8: {  	v59 =	vld [tilespmem:s21+$0x6200];
	v58 =	vmul.f32 v51, v50;
	v0 =	vadd.f32 v55, v0  }
0xc9: {  	v60 =	vld [tilespmem:s21+$0x8200]  }
0xca: {  	v61 =	vmul.f32 v54, v53;
	v0 =	vadd.f32 v58, v0;
	_ =	sdelay $0x1  }
0xcb: {  	v62 =	vmul.f32 v57, v56;
	v0 =	vadd.f32 v61, v0;
	_ =	sdelay $0x1  }
0xcc: {  	v63 =	vmul.f32 v60, v59;
	v0 =	vadd.f32 v62, v0;
	_ =	sdelay $0x1  }
0xcd: {  	s19 =	sadd.s32 $0x1, s19;
	v0 =	vadd.f32 v63, v0  }
0xce: {  	p0 =	sne.s32 s19, s8  }
.Ltmp2:
0xcf: {  	[tilespmem:s21+$0x8400] =	vst v0;
	(pc) =	sbr.rel @p0 .LBB2_1-.Ltmp2, $4  }
0xd0: {  	[hbm4b:s7+s3] =	stream.linear.scatter [tilespmem:s18], [sflag:$0x2], $0x200, $0x38;
	[tilespmem:$0x8610] =	vst v63  }
0xd1: {  	_ =	swait.ge [sflag:s9], $0x200  }
0xd2: {  	[sflag:s9] =	ssyncset.done $0x0  }
0xd3: {  	[sflag:s9] =	ssyncadd.s32 $0xFFFFFE00  }
0xd4: {  	_ =	sfence.sel $0x180000  }
0xd5: {  	[bflag:$0x0] =	sbarrier.arrive $0xFFFF  }
0xd6: {  	p0 =	sne.s32 s2, $0x0;
	_ =	strace $0x90000047  }
0xd7: {  	s0 =	sadd.s32 @!p0 $0x100000, s0;
	[bflag:$0x2] =	sbarrier.arrive $0xFFFF  }
0xd8: {  	[sflag:s0] =	ssyncadd.tile.s32 @!p0 $0x1;
	_ =	shalt  }
.Lfunc_end2:
_tile_overlayer_lowered:
.L_overlay_start_2:
0xd9: {  	(tag) =	ssettag $0x2  }
0xda: {  	s0 =	rddreg [dreg:$0x0];
	s2 =	stileid.u32  }
0xdb: {  	s1 =	rddreg [dreg:$0x1];
	p0 =	sne.s32 s2, $0x0  }
0xdc: {  	s3 =	rddreg [dreg:$0x2];
	[bflag:$0x3] =	sbarrier.arrive $0xFFFF;
	s2 =	simm.s32 @!p0 $0x1C02  }
0xdd: {  	[timem:s3], [sflag:s2] =	dma.local @!p0 [hbm:s0], s1  }
0xde: {  	s0 =	simm.s32 @!p0 $0x2  }
0xdf: {  	_ =	swait.ge @!p0 [sflag:s0], s1  }
0xe0: {  	s1 =	ssub.s32 @!p0 $0x0, s1;
	[sflag:s0] =	ssyncset.done @!p0 $0x0  }
0xe1: {  	[sflag:s0] =	ssyncadd.s32 @!p0 s1  }
0xe2: {  	[bflag:$0x3] =	sbarrier.arrive $0xFFFF  }
0xe3: {  	_ =	shalt  }

// kernel: kernel.7.cloned.1.call-start
scs
__scs_entry_jumppad:
0x0: {  	(pc) =	sbr.rel $0x88, $3  }
0x1: {  	(tag) =	ssettag $0x0;
	lr =	simm.s32 $0x1  }
0x2: {  	[smem:$0x3F9C] =	sst lr;
	_ =	strace $0xD0000000  }
0x3: {  	_ = 	snop  }
0x4: {  	_ = 	snop  }
0x5: {  	_ = 	snop  }
0x6: {  	_ = 	snop  }
0x7: {  	_ = 	snop  }
__scs_overlays_trampoline_lowered:
0x8: {  	[smem:$0x3FAB] =	sst s0  }
0x9: {  	[smem:$0x3FAC] =	sst s1  }
0xa: {  	[smem:$0x3FAD] =	sst s2  }
0xb: {  	[smem:$0x3FAE] =	sst s3  }
0xc: {  	[smem:$0x3FAF] =	sst s4  }
0xd: {  	[smem:$0x3FB0] =	sst s5  }
0xe: {  	[smem:$0x3FB1] =	sst s6  }
0xf: {  	[smem:$0x3FB2] =	sst s7  }
0x10: {  	[smem:$0x3FB3] =	sst s8  }
0x11: {  	[smem:$0x3FB4] =	sst s9;
	s0 =	simm.s32 @!p0 $0x0  }
0x12: {  	s1 =	sld [smem:$0x3F9A];
	s0 =	simm.s32 @p0 $0x1  }
0x13: {  	[smem:$0x3FB5] =	sst s0;
	s0 =	simm.s32 @!p1 $0x0  }
0x14: {  	s2 =	sld [smem:$0x3F99];
	s0 =	simm.s32 @p1 $0x1  }
0x15: {  	[smem:$0x3FB6] =	sst s0;
	s0 =	simm.s32 @!p2 $0x0  }
0x16: {  	s3 =	sld [smem:$0x3FDB];
	s0 =	simm.s32 @p2 $0x1  }
0x17: {  	s4 =	simm.s32 $0x1BF5;
	[smem:$0x3FB8] =	sst s0  }
0x18: {  	s0 =	sld [smem:$0x3F9B];
	_ =	swait.ge [sflag:s4], $0x0  }
0x19: {  	s7 =	sld [smem:$0x3F9C]  }
0x1a: {  	s8 =	sadd.s32 $0xFFFFE003, lr  }
0x1b: {  	s9 =	sadd.s32 $0xFFFFFEF7, lr;
	s5 =	simm.s32 $0xFFFFFFFF;
	p2 =	slt.u32 s8, $0xFFFFF086  }
0x1c: {  	p1 =	slt.u32 s9, $0xF7A;
	s5 =	simm.s32 @!p2 $0x0  }
0x1d: {  	s5 =	simm.s32 @p1 $0x1;
	p0 =	seq.s32 s7, s2  }
0x1e: {  	s7 =	smul.u32 @!p0 $0xF7A, s2;
	p2 =	seq.s32 @!p0 s5, $0x0  }
0x1f: {  	s9 =	smul.u32 $0xF7A, s1;
	s8 =	simm.s32 @!p0 $0x1BF5;
	p2 =	por !p2, p0  }
0x20: {  	[sflag:s8] =	ssyncset.s32 @!p0 $0xFFFFF086;
	s6 =	sadd.s32 @!p0 s3, s7;
	s7 =	simm.s32 @!p0 $0x108  }
0x21: {  	s3 =	sadd.s32 s3, s9;
	s6 =	sadd.s32 @!p0 $0x88, s6;
	s7 =	simm.s32 @p2 $0x1082  }
0x22: {  	[simem:s7], [sflag:s8] =	dma.local @!p0 [hbm:s6], $0xF7A  }
0x23: {  	s9 =	sor.u32 $0xD0000000, s2;
	s6 =	simm.s32 $0x108;
	_ =	swait.ge @!p0 [sflag:s8], $0x0  }
0x24: {  	s3 =	sadd.s32 $0x88, s3;
	s6 =	simm.s32 @!p1 $0x1082;
	[sflag:s4] =	ssyncset.s32 $0xFFFFF086  }
0x25: {  	[simem:s6], [sflag:s4] =	dma.local [hbm:s3], $0xF7A  }
0x26: {  	[smem:$0x3F9C] =	sst s1;
	(tag) =	ssettag s2;
	_ =	strace s9  }
0x27: {  	s1 =	sld [smem:$0x3FAC]  }
0x28: {  	s2 =	sld [smem:$0x3FAD]  }
0x29: {  	s4 =	sld [smem:$0x3FAF]  }
0x2a: {  	p0 =	seq.s32 s5, $0x0;
	s5 =	sld [smem:$0x3FB0]  }
0x2b: {  	s6 =	sld [smem:$0x3FB1]  }
0x2c: {  	s7 =	sld [smem:$0x3FB2]  }
0x2d: {  	s3 =	simm.s32 $0x108;
	s8 =	sld [smem:$0x3FB3]  }
0x2e: {  	s3 =	simm.s32 @!p0 $0x1082;
	s9 =	sld [smem:$0x3FB4]  }
0x2f: {  	lr =	sadd.s32 s0, s3;
	s0 =	sld [smem:$0x3FAB]  }
0x30: {  	s3 =	sld [smem:$0x3FAE]  }
0x31: {  	[smem:$0x3FB7] =	sst s10  }
0x32: {  	s10 =	sld [smem:$0x3FB5];
	_ =	sdelay $0x3  }
0x33: {  	p0 =	seq.s32 s10, $0x1;
	s10 =	sld [smem:$0x3FB7];
	_ =	sdelay $0x3  }
0x34: {  	[smem:$0x3FB7] =	sst s10  }
0x35: {  	s10 =	sld [smem:$0x3FB6];
	_ =	sdelay $0x3  }
0x36: {  	p1 =	seq.s32 s10, $0x1;
	s10 =	sld [smem:$0x3FB7];
	_ =	sdelay $0x3  }
0x37: {  	[smem:$0x3FB7] =	sst s10  }
0x38: {  	s10 =	sld [smem:$0x3FB8]  }
0x39: {  	_ = 	snop;
	(pc) =	sbr.ind lr, $3  }
0x3a: {  	_ = 	snop  }
0x3b: {  	_ = 	snop  }
0x3c: {  	p2 =	seq.s32 s10, $0x1;
	s10 =	sld [smem:$0x3FB7]  }
0x3d: {  	_ =	shalt  }
0x3e: {  	_ =	shalt  }
0x3f: {  	_ =	shalt  }
0x40: {  	_ =	shalt  }
0x41: {  	_ =	shalt  }
0x42: {  	_ =	shalt  }
0x43: {  	_ =	shalt  }
0x44: {  	_ =	shalt  }
0x45: {  	_ =	shalt  }
0x46: {  	_ =	shalt  }
0x47: {  	_ =	shalt  }
0x48: {  	_ =	shalt  }
0x49: {  	_ =	shalt  }
0x4a: {  	_ =	shalt  }
0x4b: {  	_ =	shalt  }
0x4c: {  	_ =	shalt  }
0x4d: {  	_ =	shalt  }
0x4e: {  	_ =	shalt  }
0x4f: {  	_ =	shalt  }
0x50: {  	_ =	shalt  }
0x51: {  	_ =	shalt  }
0x52: {  	_ =	shalt  }
0x53: {  	_ =	shalt  }
0x54: {  	_ =	shalt  }
0x55: {  	_ =	shalt  }
0x56: {  	_ =	shalt  }
0x57: {  	_ =	shalt  }
0x58: {  	_ =	shalt  }
0x59: {  	_ =	shalt  }
0x5a: {  	_ =	shalt  }
0x5b: {  	_ =	shalt  }
0x5c: {  	_ =	shalt  }
0x5d: {  	_ =	shalt  }
0x5e: {  	_ =	shalt  }
0x5f: {  	_ =	shalt  }
0x60: {  	_ =	shalt  }
0x61: {  	_ =	shalt  }
0x62: {  	_ =	shalt  }
0x63: {  	_ =	shalt  }
0x64: {  	_ =	shalt  }
0x65: {  	_ =	shalt  }
0x66: {  	_ =	shalt  }
0x67: {  	_ =	shalt  }
0x68: {  	_ =	shalt  }
0x69: {  	_ =	shalt  }
0x6a: {  	_ =	shalt  }
0x6b: {  	_ =	shalt  }
0x6c: {  	_ =	shalt  }
0x6d: {  	_ =	shalt  }
0x6e: {  	_ =	shalt  }
0x6f: {  	_ =	shalt  }
0x70: {  	_ =	shalt  }
0x71: {  	_ =	shalt  }
0x72: {  	_ =	shalt  }
0x73: {  	_ =	shalt  }
0x74: {  	_ =	shalt  }
0x75: {  	_ =	shalt  }
0x76: {  	_ =	shalt  }
0x77: {  	_ =	shalt  }
0x78: {  	_ =	shalt  }
0x79: {  	_ =	shalt  }
0x7a: {  	_ =	shalt  }
0x7b: {  	_ =	shalt  }
0x7c: {  	_ =	shalt  }
0x7d: {  	_ =	shalt  }
0x7e: {  	_ =	shalt  }
0x7f: {  	_ =	shalt  }
0x80: {  	_ =	shalt  }
0x81: {  	_ =	shalt  }
0x82: {  	_ =	shalt  }
0x83: {  	_ =	shalt  }
0x84: {  	_ =	shalt  }
0x85: {  	_ =	shalt  }
0x86: {  	_ =	shalt  }
0x87: {  	_ =	shalt  }
.Lfunc_end0:
.L_simem_size_0:
called_computation.1_lowered:
.L_overlay_start_0:
0x88: {  	s2 =	sld [smem:$0x3FD9]  }
0x89: {  	s3 =	sld [smem:$0x3FFE];
	_ =	sdelay $0x1  }
0x8a: {  	s1 =	srdreg.scid  }
0x8b: {  	s0 =	sand.u32 $0x1, s1  }
0x8c: {  	s17 =	sshll.u32 s0, $0xA;
	s2 =	sadd.s32 s3, s2  }
0x8d: {  	s2 =	sadd.s32 s2, s17  }
0x8e: {  	[smem:$0x3FC3] =	sst s2  }
0x8f: {  	_ = 	snop  }
0x90: {  	s2 =	sld [smem:$0x3FC9]  }
0x91: {  	s18 =	sld [smem:$0x3FC8]  }
0x92: {  	s4 =	sld [smem:$0x3FD0];
	(tm) =	ssettm $0x1  }
0x93: {  	s5 =	sld [smem:$0x3FFB];
	_ =	sdelay $0x3  }
0x94: {  	_ =	strace s5  }
0x95: {  	s5 =	sld [smem:$0x3FFC];
	_ =	sdelay $0x3  }
0x96: {  	_ =	strace s5  }
0x97: {  	s5 =	sld [smem:$0x3FFD];
	_ =	sdelay $0x3  }
0x98: {  	_ =	strace s5  }
0x99: {  	_ =	strace $0x8FFFFFFF  }
0x9a: {  	s19 =	sld [smem:$0x3FDB];
	_ =	sdelay $0x1  }
0x9b: {  	s6 =	simm.s32 $_scs_section_size  }
0x9c: {  	s7 =	simm.s32 $_size__tile_overlayer_lowered;
	s8 =	simm.s32 $_tile_overlayer_lowered  }
0x9d: {  	s22 =	simm.s32 $0x1BFF;
	s21 =	sshll.u32 s8, $0x1;
	s5 =	sadd.s32 s6, s19  }
0x9e: {  	s9 =	simm.s32 $0x0;
	s20 =	sshll.u32 s7, $0x1;
	s7 =	sadd.s32 s21, s5  }
0x9f: {  	[timem:s9], [sflag:s22] =	dma.local [hbm:s7], s20  }
0xa0: {  	_ =	swait.ge [sflag:s22], s20  }
0xa1: {  	s6 =	ssub.s32 $0x0, s20;
	[sflag:s22] =	ssyncset.done $0x0  }
0xa2: {  	[sflag:s22] =	ssyncadd.s32 s6;
	_ =	sdelay $0x1  }
0xa3: {  	s23 =	simm.s32 $0x1B8B  }
0xa4: {  	_ =	swait.ge [sflag:s23], $0x1  }
0xa5: {  	[sflag:s23] =	ssyncset.done $0x0  }
0xa6: {  	s25 =	simm.s32 $0x1B8E;
	s24 =	sld [smem:$0x3FFE];
	[sflag:s23] =	ssyncadd.s32 $0xFFFFFFFF  }
0xa7: {  	s26 =	simm.s32 $execute0_lowered;
	[smem:$0x3FD2] =	sst s25  }
0xa8: {  	s7 =	sshll.u32 s26, $0x1;
	_ =	strace $0x80000049;
	[dreg:$0x1] =	wrdreg $0xFFFFFFFF  }
0xa9: {  	s28 =	simm.s32 $_size_execute0_lowered;
	s5 =	sadd.s32 s5, s7;
	[dreg:$0x0] =	wrdreg $0x0  }
0xaa: {  	s7 =	sshll.u32 s28, $0x1;
	[dreg:$0x2] =	wrdreg s5  }
0xab: {  	[dreg:$0x3] =	wrdreg s7  }
0xac: {  	[dreg:$0x4] =	wrdreg $0xC0  }
0xad: {  	_ =	task [dreg:s9], $0x5FFFF  }
0xae: {  	[dreg:$0x1] =	wrdreg $0xFFFFFFFF  }
0xaf: {  	[dreg:$0x0] =	wrdreg $0x60  }
0xb0: {  	[dreg:$0x2] =	wrdreg s2  }
0xb1: {  	[dreg:$0x3] =	wrdreg s18  }
0xb2: {  	[dreg:$0x4] =	wrdreg s24  }
0xb3: {  	[dreg:$0x5] =	wrdreg s4  }
0xb4: {  	[dreg:$0x6] =	wrdreg $0x9  }
0xb5: {  	_ =	task.clear_ibuf [dreg:s9], $0x7FFFF;
	_ =	strace $0x90000049  }
0xb6: {  	s29 =	simm.s32 $0x9;
	_ =	strace $0x8000004B  }
0xb7: {  	_ =	swait.ge [sflag:s29], $0x1  }
0xb8: {  	[sflag:s29] =	ssyncadd.s32 $0xFFFFFFFF  }
0xb9: {  	_ =	strace $0x9000004B  }
0xba: {  	_ =	sfence  }
0xbb: {  	s30 =	sld [smem:$0x0];
	_ =	sdelay $0x2  }
0xbc: {  	s31 =	sshll.u32 s1, $0xD;
	s1 =	sshrl.u32 s1, $0x2  }
0xbd: {  	s3 =	sand.u32 $0x4000, s31;
	s1 =	sadd.s32 s1, s30  }
0xbe: {  	s0 =	sor.u32 s3, s0;
	s1 =	sshll.u32 s1, $0x11  }
0xbf: {  	s0 =	sor.u32 s1, s0  }
0xc0: {  	s0 =	sadd.s32 $0x8F2B, s0  }
0xc1: {  	[sflag:s0] =	ssyncadd.remote.s32 $0x1  }
0xc2: {  	_ =	sfence.sel $0xFFFF  }
0xc3: {  	[dreg:$0x0] =	wrdreg $0xFFFFFFFF;
	(pc) =	sbr.abs _section_cstart, $3  }
0xc4: {  	[dreg:$0x1] =	wrdreg $0xFFFFFFFF  }
0xc5: {  	_ =	task.clear_ibuf [dreg:s9], $0x2FFFF;
	_ =	strace $0x9FFFFFFF  }
0xc6: {  	(tm) =	ssettm $0x7FFFFFFF  }
0xc7: {  	_ =	shalt  }
tec
execute0_lowered:
.L_overlay_start_1:
0x0: {  	(tag) =	ssettag $0x1  }
0x1: {  	s4 =	rddreg [dreg:$0x0]  }
0x2: {  	s5 =	rddreg [dreg:$0x1]  }
0x3: {  	s6 =	rddreg [dreg:$0x2]  }
0x4: {  	s7 =	rddreg [dreg:$0x3]  }
0x5: {  	s0 =	rddreg [dreg:$0x4];
	s2 =	simm.s32 $0x0;
	s3 =	srdreg.scid  }
0x6: {  	s1 =	stileid.u32;
	s11 =	simm.s32 $0x800;
	s12 =	simm.s32 $0x400  }
0x7: {  	s13 =	simm.s32 $0x600;
	s14 =	simm.s32 $0x1;
	s15 =	simm.s32 $0x0  }
0x8: {  	[smem:$0x7FF] =	sst s2;
	s3 =	sand.u32 $0x1, s3;
	s8 =	sshll.u32 s1, $0x7  }
0x9: {  	s9 =	sshll.u32 s3, $0x6;
	s10 =	ssub.s32 $0x2, s3;
	_ =	strace $0x8000004A  }
0xa: {  	s3 =	sadd.s32 $0x1000, s6;
	s8 =	sor.u32 s9, s8;
	s31 =	sshrl.u32 s10, $0x1  }
0xb: {  	s6 =	sadd.s32 s8, s6;
	s9 =	ssub.s32 s10, s31;
	s4 =	sadd.s32 s4, s8  }
0xc: {  	s5 =	sadd.s32 s5, s8;
	s7 =	sadd.s32 s7, s8;
	s10 =	simm.s32 $0x200  }
0xd: {  	s6 =	sadd.s32 $0x800, s6;
	s8 =	smax.u32 s9, $0x1;
	s9 =	simm.s32 $0x2  }
.LBB2_1:
0xe: {  	[tilespmem:s2], [sflag:$0x2] =	stream.linear.gather [hbm4b:s4+s2], $0x200, $0x38;
	[tilespmem:$0xA00] =	vst v63  }
0xf: {  	_ =	swait.ge [sflag:s9], $0x200  }
0x10: {  	[sflag:s9] =	ssyncset.done $0x0  }
0x11: {  	[sflag:s9] =	ssyncadd.s32 $0xFFFFFE00  }
0x12: {  	[tilespmem:s10], [sflag:$0x2] =	stream.linear.gather [hbm4b:s5+s2], $0x200, $0x38;
	[tilespmem:$0xA00] =	vst v63  }
0x13: {  	_ =	swait.ge [sflag:s9], $0x200  }
0x14: {  	[sflag:s9] =	ssyncset.done $0x0  }
0x15: {  	[sflag:s9] =	ssyncadd.s32 $0xFFFFFE00  }
0x16: {  	[tilespmem:s11], [sflag:$0x2] =	stream.linear.gather [hbm4b:s6+s2], $0x200, $0x38;
	[tilespmem:$0xA00] =	vst v63  }
0x17: {  	_ =	swait.ge [sflag:s9], $0x200  }
0x18: {  	[sflag:s9] =	ssyncset.done $0x0  }
0x19: {  	s16 =	simm.s32 $0x0;
	s17 =	simm.s32 $0x40;
	[sflag:s9] =	ssyncadd.s32 $0xFFFFFE00  }
.LBB2_2:
0x1a: {  	p0 =	sne.s32 s17, $0x7C0;
	v0 =	vld [tilespmem:s16+$0x200];
	_ =	sdelay $0x1  }
.Ltmp0:
0x1b: {  	(pc) =	sbr.rel @p0 .LBB2_2-.Ltmp0, $3  }
0x1c: {  	_ =	sdelay $0x1  }
0x1d: {  	v0 =	vadd.s32 $0xF4240, v0  }
0x1e: {  	[tilespmem:s16+$0x200] =	vst v0;
	s16 =	sshra.s32 s17, $0x2;
	s17 =	sadd.s32 $0x40, s17  }
0x1f: {  	v0 =	vld [tilespmem:s16+$0x200];
	_ =	sdelay $0x4  }
0x20: {  	v0 =	vadd.s32 $0xF4240, v0  }
0x21: {  	s31 =	simm.s32 $0x0;
	[tilespmem:s16+$0x200] =	vst v0  }
0x22: {  	[tilespmem:s12], [sflag:$0x1] =	stream.indirect.gather [hbm4b:s3+s10], $0x1, s31, s10, $0xb8;
	[tilespmem:$0xA00] =	vst v63  }
0x23: {  	_ = 	snop  }
0x24: {  	[tilespmem:s13], [sflag:$0x1] =	stream.indirect.gather [hbm4b:s3+s10], $0x1, s10, s10, $0xb8;
	[tilespmem:$0xA00] =	vst v63  }
0x25: {  	_ =	swait.ge [sflag:s14], $0x200  }
0x26: {  	[sflag:s14] =	ssyncset.done $0x0  }
0x27: {  	[sflag:s14] =	ssyncadd.s32 $0xFFFFFE00  }
0x28: {  	_ =	swait.ge [sflag:s14], $0x200  }
0x29: {  	[sflag:s14] =	ssyncset.done $0x0  }
0x2a: {  	s16 =	simm.s32 $0x0;
	[sflag:s14] =	ssyncadd.s32 $0xFFFFFE00  }
0x2b: {  	s17 =	simm.s32 $0x40;
	v0 =	vld [tilespmem:s16+$0x400]  }
.LBB2_4:
0x2c: {  	p0 =	sne.s32 s17, $0x7C0;
	v1 =	vld [tilespmem:s16+$0x800];
	_ =	sdelay $0x1  }
0x2d: {  	v2 =	vld [tilespmem:s16+$0x600];
	_ =	sdelay $0x2  }
.Ltmp1:
0x2e: {  	v0 =	vadd.f32 v0, v1;
	(pc) =	sbr.rel @p0 .LBB2_4-.Ltmp1, $4  }
0x2f: {  	_ = 	snop  }
0x30: {  	v1 =	vadd.f32 v2, v0  }
0x31: {  	s18 =	sshra.s32 s17, $0x2  }
0x32: {  	s17 =	sadd.s32 $0x40, s17;
	v0 =	vld [tilespmem:s18+$0x400];
	[tilespmem:s16+$0x800] =	vst v1;
	s16 =	smov.u32 s18  }
0x33: {  	v1 =	vld [tilespmem:s16+$0x800];
	_ =	sdelay $0x1  }
0x34: {  	v2 =	vld [tilespmem:s16+$0x600];
	_ =	sdelay $0x2  }
0x35: {  	v0 =	vadd.f32 v0, v1;
	_ =	sdelay $0x1  }
0x36: {  	s15 =	sadd.s32 $0x1, s15;
	v0 =	vadd.f32 v2, v0  }
0x37: {  	p0 =	sne.s32 s15, s8  }
.Ltmp2:
0x38: {  	[tilespmem:s16+$0x800] =	vst v0;
	(pc) =	sbr.rel @p0 .LBB2_1-.Ltmp2, $4  }
0x39: {  	[hbm4b:s7+s2] =	stream.linear.scatter [tilespmem:s11], [sflag:$0x2], $0x200, $0x38;
	[tilespmem:$0xA00] =	vst v63  }
0x3a: {  	_ =	swait.ge [sflag:s9], $0x200  }
0x3b: {  	[sflag:s9] =	ssyncset.done $0x0  }
0x3c: {  	[sflag:s9] =	ssyncadd.s32 $0xFFFFFE00  }
0x3d: {  	_ =	sfence.sel $0x180000  }
0x3e: {  	[bflag:$0x0] =	sbarrier.arrive $0xFFFF  }
0x3f: {  	p0 =	sne.s32 s1, $0x0;
	_ =	strace $0x9000004A  }
0x40: {  	s0 =	sadd.s32 @!p0 $0x100000, s0;
	[bflag:$0x2] =	sbarrier.arrive $0xFFFF  }
0x41: {  	[sflag:s0] =	ssyncadd.tile.s32 @!p0 $0x1;
	_ =	shalt  }
.Lfunc_end2:
_tile_overlayer_lowered:
.L_overlay_start_2:
0x42: {  	(tag) =	ssettag $0x2  }
0x43: {  	s0 =	rddreg [dreg:$0x0];
	s2 =	stileid.u32  }
0x44: {  	s1 =	rddreg [dreg:$0x1];
	p0 =	sne.s32 s2, $0x0  }
0x45: {  	s3 =	rddreg [dreg:$0x2];
	[bflag:$0x3] =	sbarrier.arrive $0xFFFF;
	s2 =	simm.s32 @!p0 $0x1C02  }
0x46: {  	[timem:s3], [sflag:s2] =	dma.local @!p0 [hbm:s0], s1  }
0x47: {  	s0 =	simm.s32 @!p0 $0x2  }
0x48: {  	_ =	swait.ge @!p0 [sflag:s0], s1  }
0x49: {  	s1 =	ssub.s32 @!p0 $0x0, s1;
	[sflag:s0] =	ssyncset.done @!p0 $0x0  }
0x4a: {  	[sflag:s0] =	ssyncadd.s32 @!p0 s1  }
0x4b: {  	[bflag:$0x3] =	sbarrier.arrive $0xFFFF  }
0x4c: {  	_ =	shalt  }

</sc_bundles>
